<compile_context>
chip_gen: v7x
topology: tpu7x:2x2x1
jax: 0.10.2.dev20260603
libtpu: 0.0.44.dev20260713+nightly
codegen_flags: <defaults>
</compile_context>

<pallas_src>
import jax
import jax.numpy as jnp
from jax import lax
from jax.experimental import pallas as pl
from jax.experimental.pallas import tpu as pltpu
from jax.experimental.pallas import tpu_sc as plsc

_LENS = (480000, 448000, 416000, 384000, 352000, 320000, 288000, 256000)
_MAXL = 480000
_NC, _NS = 2, 16
_NW = _NC * _NS
_W = 16000
_NT = _MAXL // _W
_TPC = 32000 // _W


def _body(w0, w1, w2, w3, w4, w5, w6, w7, zrow, out, buf, isem, osem):
    ws = (w0, w1, w2, w3, w4, w5, w6, w7)
    wid = lax.axis_index("s") * _NC + lax.axis_index("c")
    t = wid
    valid = t < _NT
    c0 = pl.multiple_of(t * _W, _W)

    def in_copy(r):
        return pltpu.make_async_copy(
            ws[r].at[pl.ds(c0, _W)], buf.at[r], isem
        )

    def zero_copy(r):
        return pltpu.make_async_copy(zrow, buf.at[r], isem)

    for r in range(8):
        data = t < (15 - r) * _TPC

        @pl.when(valid & data)
        def _(r=r):
            in_copy(r).start()

        @pl.when(valid & jnp.logical_not(data))
        def _(r=r):
            zero_copy(r).start()

    @pl.when(valid)
    def _():
        for r in range(8):
            in_copy(r).wait()

    out_copy = pltpu.make_async_copy(
        buf, out.at[:, pl.ds(c0, _W)], osem
    )

    @pl.when(valid)
    def _():
        out_copy.start()
        out_copy.wait()


@jax.jit
def _pad_stack(w0, w1, w2, w3, w4, w5, w6, w7):
    mesh = plsc.VectorSubcoreMesh(core_axis_name="c", subcore_axis_name="s")
    f = pl.kernel(
        _body,
        out_type=jax.ShapeDtypeStruct((8, _MAXL), jnp.float32),
        mesh=mesh,
        scratch_types=[
            pltpu.VMEM((8, _W), jnp.float32),
            pltpu.SemaphoreType.DMA,
            pltpu.SemaphoreType.DMA,
        ],
    )
    zrow = jnp.zeros((_W,), jnp.float32)
    return f(w0, w1, w2, w3, w4, w5, w6, w7, zrow)


def kernel(w0, w1, w2, w3, w4, w5, w6, w7):
    batched = _pad_stack(w0, w1, w2, w3, w4, w5, w6, w7)
    wave_lengths = jnp.array(_LENS, dtype=jnp.int32)
    return (batched, wave_lengths)

# --- scband reference (transcript-rebuilt; emitter-appended) ---
"""Pipeline reference for scband-wav2-vec2-processor-68650757259604 (READ-ONLY COPY).

The authoritative reference and input builder live on the scoring server;
editing this copy changes nothing except your own understanding.
"""

import jax, jax.numpy as jnp
import numpy as np

_LENGTHS = [480000, 448000, 416000, 384000, 352000, 320000, 288000, 256000]

def setup_inputs(seed: int = 0) -> dict:
    key = jax.random.key(seed)
    inp = {}
    for i, L in enumerate(_LENGTHS):
        inp[f"w{i}"] = jax.random.normal(jax.random.fold_in(key, i), (L,), dtype=jnp.float32)
    return inp

def reference(w0, w1, w2, w3, w4, w5, w6, w7):
    waveforms = [w0, w1, w2, w3, w4, w5, w6, w7]
    wave_lengths = jnp.array([w.shape[0] for w in waveforms], dtype=jnp.int32)
    max_length = max(w.shape[0] for w in waveforms)
    padded = [jnp.pad(w, (0, max_length - w.shape[0]), mode='constant', constant_values=0.0) for w in waveforms]
    batched_waveforms = jnp.stack(padded, axis=0)
    return (batched_waveforms, wave_lengths)

if __name__ == "__main__":
    import jax
    _d = setup_inputs()
    print(jax.jit(kernel)(*tuple(_d.values())))

</pallas_src>

<mosaic_0001>
#map = affine_map<(d0, d1) -> (0)>
#map1 = affine_map<(d0, d1) -> (0, 0)>
module attributes {stable_mosaic.version = 14 : i64} {
  func.func @_body(%arg0: i32, %arg1: i32, %arg2: memref<480000xf32, #tpu.memory_space<hbm>>, %arg3: memref<448000xf32, #tpu.memory_space<hbm>>, %arg4: memref<416000xf32, #tpu.memory_space<hbm>>, %arg5: memref<384000xf32, #tpu.memory_space<hbm>>, %arg6: memref<352000xf32, #tpu.memory_space<hbm>>, %arg7: memref<320000xf32, #tpu.memory_space<hbm>>, %arg8: memref<288000xf32, #tpu.memory_space<hbm>>, %arg9: memref<256000xf32, #tpu.memory_space<hbm>>, %arg10: memref<16000xf32, #tpu.memory_space<hbm>>, %arg11: memref<8x480000xf32, #tpu.memory_space<hbm>>, %arg12: memref<8x16000xf32, #tpu.memory_space<vmem>>, %arg13: memref<!tpu.dma_semaphore, #tpu.memory_space<semaphore_mem>>, %arg14: memref<!tpu.dma_semaphore, #tpu.memory_space<semaphore_mem>>) attributes {dimension_semantics = [#tpu.dimension_semantics<core_parallel>, #tpu.dimension_semantics<subcore_parallel>], iteration_bounds = array<i64: 2, 16>, scalar_prefetch = 0 : i64, scratch_operands = 3 : i64, tpu.core_type = #tpu.core_type<sc_vector_subcore>, window_params = [{transform_indices = #map}, {transform_indices = #map}, {transform_indices = #map}, {transform_indices = #map}, {transform_indices = #map}, {transform_indices = #map}, {transform_indices = #map}, {transform_indices = #map}, {transform_indices = #map}, {transform_indices = #map1}]} {
    %mul3A = arith.constant 2 : i32
    %mul3A_0 = arith.muli %arg1, %mul3A : i32
    %add3A = arith.addi %mul3A_0, %arg0 : i32
    %lt3A = arith.constant 30 : i32
    %lt3A_1 = arith.cmpi slt, %add3A, %lt3A : i32
    %mul3A_2 = arith.constant 16000 : i32
    %mul3A_3 = arith.muli %add3A, %mul3A_2 : i32
    %multiple_of3A = tpu.assume_multiple %mul3A_3, 16000 : i32
    %lt3A_4 = arith.constant 30 : i32
    %lt3A_5 = arith.cmpi slt, %add3A, %lt3A_4 : i32
    %and3A = arith.andi %lt3A_1, %lt3A_5 : i1
    %convert_element_type3A = arith.extui %and3A : i1 to i32
    %cond3A = arith.constant 0 : i32
    %cond3A_6 = arith.cmpi ne, %convert_element_type3A, %cond3A : i32
    scf.if %cond3A_6 {
      %dma_start3A = arith.constant 0 : i32
      %dma_start3A_102 = arith.constant 0 : i32
      %dma_start3A_103 = tpu.memref_slice %arg12[%dma_start3A, %dma_start3A_102] : memref<8x16000xf32, #tpu.memory_space<vmem>> -> memref<1x16000xf32, #tpu.memory_space<vmem>>
      %dma_start3A_104 = tpu.memref_squeeze %dma_start3A_103 : memref<1x16000xf32, #tpu.memory_space<vmem>> -> memref<16000xf32, #tpu.memory_space<vmem>>
      %dma_start3A_105 = tpu.memref_slice %arg2[%multiple_of3A] : memref<480000xf32, #tpu.memory_space<hbm>> -> memref<16000xf32, #tpu.memory_space<hbm>>
      %dma_start3A_106 = arith.constant 0 : i32
      %dma_start3A_107 = tpu.memref_slice %arg12[%dma_start3A, %dma_start3A_106] : memref<8x16000xf32, #tpu.memory_space<vmem>> -> memref<1x16000xf32, #tpu.memory_space<vmem>>
      %dma_start3A_108 = tpu.memref_squeeze %dma_start3A_107 : memref<1x16000xf32, #tpu.memory_space<vmem>> -> memref<16000xf32, #tpu.memory_space<vmem>>
      %dma_start3A_109 = tpu.memref_slice %arg2[%multiple_of3A] : memref<480000xf32, #tpu.memory_space<hbm>> -> memref<16000xf32, #tpu.memory_space<hbm>>
      tpu.enqueue_dma source(%dma_start3A_109 : memref<16000xf32, #tpu.memory_space<hbm>>) target(%dma_start3A_108 : memref<16000xf32, #tpu.memory_space<vmem>>) target_semaphore(%arg13 : memref<!tpu.dma_semaphore, #tpu.memory_space<semaphore_mem>>)
    } else {
    }
    %not3A = arith.constant true
    %not3A_7 = arith.xori %lt3A_5, %not3A : i1
    %and3A_8 = arith.andi %lt3A_1, %not3A_7 : i1
    %convert_element_type3A_9 = arith.extui %and3A_8 : i1 to i32
    %cond3A_10 = arith.constant 0 : i32
    %cond3A_11 = arith.cmpi ne, %convert_element_type3A_9, %cond3A_10 : i32
    scf.if %cond3A_11 {
      %dma_start3A = arith.constant 0 : i32
      %dma_start3A_102 = arith.constant 0 : i32
      %dma_start3A_103 = tpu.memref_slice %arg12[%dma_start3A, %dma_start3A_102] : memref<8x16000xf32, #tpu.memory_space<vmem>> -> memref<1x16000xf32, #tpu.memory_space<vmem>>
      %dma_start3A_104 = tpu.memref_squeeze %dma_start3A_103 : memref<1x16000xf32, #tpu.memory_space<vmem>> -> memref<16000xf32, #tpu.memory_space<vmem>>
      %dma_start3A_105 = arith.constant 0 : i32
      %dma_start3A_106 = tpu.memref_slice %arg12[%dma_start3A, %dma_start3A_105] : memref<8x16000xf32, #tpu.memory_space<vmem>> -> memref<1x16000xf32, #tpu.memory_space<vmem>>
      %dma_start3A_107 = tpu.memref_squeeze %dma_start3A_106 : memref<1x16000xf32, #tpu.memory_space<vmem>> -> memref<16000xf32, #tpu.memory_space<vmem>>
      tpu.enqueue_dma source(%arg10 : memref<16000xf32, #tpu.memory_space<hbm>>) target(%dma_start3A_107 : memref<16000xf32, #tpu.memory_space<vmem>>) target_semaphore(%arg13 : memref<!tpu.dma_semaphore, #tpu.memory_space<semaphore_mem>>)
    } else {
    }
    %lt3A_12 = arith.constant 28 : i32
    %lt3A_13 = arith.cmpi slt, %add3A, %lt3A_12 : i32
    %and3A_14 = arith.andi %lt3A_1, %lt3A_13 : i1
    %convert_element_type3A_15 = arith.extui %and3A_14 : i1 to i32
    %cond3A_16 = arith.constant 0 : i32
    %cond3A_17 = arith.cmpi ne, %convert_element_type3A_15, %cond3A_16 : i32
    scf.if %cond3A_17 {
      %dma_start3A = arith.constant 1 : i32
      %dma_start3A_102 = arith.constant 0 : i32
      %dma_start3A_103 = tpu.memref_slice %arg12[%dma_start3A, %dma_start3A_102] : memref<8x16000xf32, #tpu.memory_space<vmem>> -> memref<1x16000xf32, #tpu.memory_space<vmem>>
      %dma_start3A_104 = tpu.memref_squeeze %dma_start3A_103 : memref<1x16000xf32, #tpu.memory_space<vmem>> -> memref<16000xf32, #tpu.memory_space<vmem>>
      %dma_start3A_105 = tpu.memref_slice %arg3[%multiple_of3A] : memref<448000xf32, #tpu.memory_space<hbm>> -> memref<16000xf32, #tpu.memory_space<hbm>>
      %dma_start3A_106 = arith.constant 0 : i32
      %dma_start3A_107 = tpu.memref_slice %arg12[%dma_start3A, %dma_start3A_106] : memref<8x16000xf32, #tpu.memory_space<vmem>> -> memref<1x16000xf32, #tpu.memory_space<vmem>>
      %dma_start3A_108 = tpu.memref_squeeze %dma_start3A_107 : memref<1x16000xf32, #tpu.memory_space<vmem>> -> memref<16000xf32, #tpu.memory_space<vmem>>
      %dma_start3A_109 = tpu.memref_slice %arg3[%multiple_of3A] : memref<448000xf32, #tpu.memory_space<hbm>> -> memref<16000xf32, #tpu.memory_space<hbm>>
      tpu.enqueue_dma source(%dma_start3A_109 : memref<16000xf32, #tpu.memory_space<hbm>>) target(%dma_start3A_108 : memref<16000xf32, #tpu.memory_space<vmem>>) target_semaphore(%arg13 : memref<!tpu.dma_semaphore, #tpu.memory_space<semaphore_mem>>)
    } else {
    }
    %not3A_18 = arith.constant true
    %not3A_19 = arith.xori %lt3A_13, %not3A_18 : i1
    %and3A_20 = arith.andi %lt3A_1, %not3A_19 : i1
    %convert_element_type3A_21 = arith.extui %and3A_20 : i1 to i32
    %cond3A_22 = arith.constant 0 : i32
    %cond3A_23 = arith.cmpi ne, %convert_element_type3A_21, %cond3A_22 : i32
    scf.if %cond3A_23 {
      %dma_start3A = arith.constant 1 : i32
      %dma_start3A_102 = arith.constant 0 : i32
      %dma_start3A_103 = tpu.memref_slice %arg12[%dma_start3A, %dma_start3A_102] : memref<8x16000xf32, #tpu.memory_space<vmem>> -> memref<1x16000xf32, #tpu.memory_space<vmem>>
      %dma_start3A_104 = tpu.memref_squeeze %dma_start3A_103 : memref<1x16000xf32, #tpu.memory_space<vmem>> -> memref<16000xf32, #tpu.memory_space<vmem>>
      %dma_start3A_105 = arith.constant 0 : i32
      %dma_start3A_106 = tpu.memref_slice %arg12[%dma_start3A, %dma_start3A_105] : memref<8x16000xf32, #tpu.memory_space<vmem>> -> memref<1x16000xf32, #tpu.memory_space<vmem>>
      %dma_start3A_107 = tpu.memref_squeeze %dma_start3A_106 : memref<1x16000xf32, #tpu.memory_space<vmem>> -> memref<16000xf32, #tpu.memory_space<vmem>>
      tpu.enqueue_dma source(%arg10 : memref<16000xf32, #tpu.memory_space<hbm>>) target(%dma_start3A_107 : memref<16000xf32, #tpu.memory_space<vmem>>) target_semaphore(%arg13 : memref<!tpu.dma_semaphore, #tpu.memory_space<semaphore_mem>>)
    } else {
    }
    %lt3A_24 = arith.constant 26 : i32
    %lt3A_25 = arith.cmpi slt, %add3A, %lt3A_24 : i32
    %and3A_26 = arith.andi %lt3A_1, %lt3A_25 : i1
    %convert_element_type3A_27 = arith.extui %and3A_26 : i1 to i32
    %cond3A_28 = arith.constant 0 : i32
    %cond3A_29 = arith.cmpi ne, %convert_element_type3A_27, %cond3A_28 : i32
    scf.if %cond3A_29 {
      %dma_start3A = arith.constant 2 : i32
      %dma_start3A_102 = arith.constant 0 : i32
      %dma_start3A_103 = tpu.memref_slice %arg12[%dma_start3A, %dma_start3A_102] : memref<8x16000xf32, #tpu.memory_space<vmem>> -> memref<1x16000xf32, #tpu.memory_space<vmem>>
      %dma_start3A_104 = tpu.memref_squeeze %dma_start3A_103 : memref<1x16000xf32, #tpu.memory_space<vmem>> -> memref<16000xf32, #tpu.memory_space<vmem>>
      %dma_start3A_105 = tpu.memref_slice %arg4[%multiple_of3A] : memref<416000xf32, #tpu.memory_space<hbm>> -> memref<16000xf32, #tpu.memory_space<hbm>>
      %dma_start3A_106 = arith.constant 0 : i32
      %dma_start3A_107 = tpu.memref_slice %arg12[%dma_start3A, %dma_start3A_106] : memref<8x16000xf32, #tpu.memory_space<vmem>> -> memref<1x16000xf32, #tpu.memory_space<vmem>>
      %dma_start3A_108 = tpu.memref_squeeze %dma_start3A_107 : memref<1x16000xf32, #tpu.memory_space<vmem>> -> memref<16000xf32, #tpu.memory_space<vmem>>
      %dma_start3A_109 = tpu.memref_slice %arg4[%multiple_of3A] : memref<416000xf32, #tpu.memory_space<hbm>> -> memref<16000xf32, #tpu.memory_space<hbm>>
      tpu.enqueue_dma source(%dma_start3A_109 : memref<16000xf32, #tpu.memory_space<hbm>>) target(%dma_start3A_108 : memref<16000xf32, #tpu.memory_space<vmem>>) target_semaphore(%arg13 : memref<!tpu.dma_semaphore, #tpu.memory_space<semaphore_mem>>)
    } else {
    }
    %not3A_30 = arith.constant true
    %not3A_31 = arith.xori %lt3A_25, %not3A_30 : i1
    %and3A_32 = arith.andi %lt3A_1, %not3A_31 : i1
    %convert_element_type3A_33 = arith.extui %and3A_32 : i1 to i32
    %cond3A_34 = arith.constant 0 : i32
    %cond3A_35 = arith.cmpi ne, %convert_element_type3A_33, %cond3A_34 : i32
    scf.if %cond3A_35 {
      %dma_start3A = arith.constant 2 : i32
      %dma_start3A_102 = arith.constant 0 : i32
      %dma_start3A_103 = tpu.memref_slice %arg12[%dma_start3A, %dma_start3A_102] : memref<8x16000xf32, #tpu.memory_space<vmem>> -> memref<1x16000xf32, #tpu.memory_space<vmem>>
      %dma_start3A_104 = tpu.memref_squeeze %dma_start3A_103 : memref<1x16000xf32, #tpu.memory_space<vmem>> -> memref<16000xf32, #tpu.memory_space<vmem>>
      %dma_start3A_105 = arith.constant 0 : i32
      %dma_start3A_106 = tpu.memref_slice %arg12[%dma_start3A, %dma_start3A_105] : memref<8x16000xf32, #tpu.memory_space<vmem>> -> memref<1x16000xf32, #tpu.memory_space<vmem>>
      %dma_start3A_107 = tpu.memref_squeeze %dma_start3A_106 : memref<1x16000xf32, #tpu.memory_space<vmem>> -> memref<16000xf32, #tpu.memory_space<vmem>>
      tpu.enqueue_dma source(%arg10 : memref<16000xf32, #tpu.memory_space<hbm>>) target(%dma_start3A_107 : memref<16000xf32, #tpu.memory_space<vmem>>) target_semaphore(%arg13 : memref<!tpu.dma_semaphore, #tpu.memory_space<semaphore_mem>>)
    } else {
    }
    %lt3A_36 = arith.constant 24 : i32
    %lt3A_37 = arith.cmpi slt, %add3A, %lt3A_36 : i32
    %and3A_38 = arith.andi %lt3A_1, %lt3A_37 : i1
    %convert_element_type3A_39 = arith.extui %and3A_38 : i1 to i32
    %cond3A_40 = arith.constant 0 : i32
    %cond3A_41 = arith.cmpi ne, %convert_element_type3A_39, %cond3A_40 : i32
    scf.if %cond3A_41 {
      %dma_start3A = arith.constant 3 : i32
      %dma_start3A_102 = arith.constant 0 : i32
      %dma_start3A_103 = tpu.memref_slice %arg12[%dma_start3A, %dma_start3A_102] : memref<8x16000xf32, #tpu.memory_space<vmem>> -> memref<1x16000xf32, #tpu.memory_space<vmem>>
      %dma_start3A_104 = tpu.memref_squeeze %dma_start3A_103 : memref<1x16000xf32, #tpu.memory_space<vmem>> -> memref<16000xf32, #tpu.memory_space<vmem>>
      %dma_start3A_105 = tpu.memref_slice %arg5[%multiple_of3A] : memref<384000xf32, #tpu.memory_space<hbm>> -> memref<16000xf32, #tpu.memory_space<hbm>>
      %dma_start3A_106 = arith.constant 0 : i32
      %dma_start3A_107 = tpu.memref_slice %arg12[%dma_start3A, %dma_start3A_106] : memref<8x16000xf32, #tpu.memory_space<vmem>> -> memref<1x16000xf32, #tpu.memory_space<vmem>>
      %dma_start3A_108 = tpu.memref_squeeze %dma_start3A_107 : memref<1x16000xf32, #tpu.memory_space<vmem>> -> memref<16000xf32, #tpu.memory_space<vmem>>
      %dma_start3A_109 = tpu.memref_slice %arg5[%multiple_of3A] : memref<384000xf32, #tpu.memory_space<hbm>> -> memref<16000xf32, #tpu.memory_space<hbm>>
      tpu.enqueue_dma source(%dma_start3A_109 : memref<16000xf32, #tpu.memory_space<hbm>>) target(%dma_start3A_108 : memref<16000xf32, #tpu.memory_space<vmem>>) target_semaphore(%arg13 : memref<!tpu.dma_semaphore, #tpu.memory_space<semaphore_mem>>)
    } else {
    }
    %not3A_42 = arith.constant true
    %not3A_43 = arith.xori %lt3A_37, %not3A_42 : i1
    %and3A_44 = arith.andi %lt3A_1, %not3A_43 : i1
    %convert_element_type3A_45 = arith.extui %and3A_44 : i1 to i32
    %cond3A_46 = arith.constant 0 : i32
    %cond3A_47 = arith.cmpi ne, %convert_element_type3A_45, %cond3A_46 : i32
    scf.if %cond3A_47 {
      %dma_start3A = arith.constant 3 : i32
      %dma_start3A_102 = arith.constant 0 : i32
      %dma_start3A_103 = tpu.memref_slice %arg12[%dma_start3A, %dma_start3A_102] : memref<8x16000xf32, #tpu.memory_space<vmem>> -> memref<1x16000xf32, #tpu.memory_space<vmem>>
      %dma_start3A_104 = tpu.memref_squeeze %dma_start3A_103 : memref<1x16000xf32, #tpu.memory_space<vmem>> -> memref<16000xf32, #tpu.memory_space<vmem>>
      %dma_start3A_105 = arith.constant 0 : i32
      %dma_start3A_106 = tpu.memref_slice %arg12[%dma_start3A, %dma_start3A_105] : memref<8x16000xf32, #tpu.memory_space<vmem>> -> memref<1x16000xf32, #tpu.memory_space<vmem>>
      %dma_start3A_107 = tpu.memref_squeeze %dma_start3A_106 : memref<1x16000xf32, #tpu.memory_space<vmem>> -> memref<16000xf32, #tpu.memory_space<vmem>>
      tpu.enqueue_dma source(%arg10 : memref<16000xf32, #tpu.memory_space<hbm>>) target(%dma_start3A_107 : memref<16000xf32, #tpu.memory_space<vmem>>) target_semaphore(%arg13 : memref<!tpu.dma_semaphore, #tpu.memory_space<semaphore_mem>>)
    } else {
    }
    %lt3A_48 = arith.constant 22 : i32
    %lt3A_49 = arith.cmpi slt, %add3A, %lt3A_48 : i32
    %and3A_50 = arith.andi %lt3A_1, %lt3A_49 : i1
    %convert_element_type3A_51 = arith.extui %and3A_50 : i1 to i32
    %cond3A_52 = arith.constant 0 : i32
    %cond3A_53 = arith.cmpi ne, %convert_element_type3A_51, %cond3A_52 : i32
    scf.if %cond3A_53 {
      %dma_start3A = arith.constant 4 : i32
      %dma_start3A_102 = arith.constant 0 : i32
      %dma_start3A_103 = tpu.memref_slice %arg12[%dma_start3A, %dma_start3A_102] : memref<8x16000xf32, #tpu.memory_space<vmem>> -> memref<1x16000xf32, #tpu.memory_space<vmem>>
      %dma_start3A_104 = tpu.memref_squeeze %dma_start3A_103 : memref<1x16000xf32, #tpu.memory_space<vmem>> -> memref<16000xf32, #tpu.memory_space<vmem>>
      %dma_start3A_105 = tpu.memref_slice %arg6[%multiple_of3A] : memref<352000xf32, #tpu.memory_space<hbm>> -> memref<16000xf32, #tpu.memory_space<hbm>>
      %dma_start3A_106 = arith.constant 0 : i32
      %dma_start3A_107 = tpu.memref_slice %arg12[%dma_start3A, %dma_start3A_106] : memref<8x16000xf32, #tpu.memory_space<vmem>> -> memref<1x16000xf32, #tpu.memory_space<vmem>>
      %dma_start3A_108 = tpu.memref_squeeze %dma_start3A_107 : memref<1x16000xf32, #tpu.memory_space<vmem>> -> memref<16000xf32, #tpu.memory_space<vmem>>
      %dma_start3A_109 = tpu.memref_slice %arg6[%multiple_of3A] : memref<352000xf32, #tpu.memory_space<hbm>> -> memref<16000xf32, #tpu.memory_space<hbm>>
      tpu.enqueue_dma source(%dma_start3A_109 : memref<16000xf32, #tpu.memory_space<hbm>>) target(%dma_start3A_108 : memref<16000xf32, #tpu.memory_space<vmem>>) target_semaphore(%arg13 : memref<!tpu.dma_semaphore, #tpu.memory_space<semaphore_mem>>)
    } else {
    }
    %not3A_54 = arith.constant true
    %not3A_55 = arith.xori %lt3A_49, %not3A_54 : i1
    %and3A_56 = arith.andi %lt3A_1, %not3A_55 : i1
    %convert_element_type3A_57 = arith.extui %and3A_56 : i1 to i32
    %cond3A_58 = arith.constant 0 : i32
    %cond3A_59 = arith.cmpi ne, %convert_element_type3A_57, %cond3A_58 : i32
    scf.if %cond3A_59 {
      %dma_start3A = arith.constant 4 : i32
      %dma_start3A_102 = arith.constant 0 : i32
      %dma_start3A_103 = tpu.memref_slice %arg12[%dma_start3A, %dma_start3A_102] : memref<8x16000xf32, #tpu.memory_space<vmem>> -> memref<1x16000xf32, #tpu.memory_space<vmem>>
      %dma_start3A_104 = tpu.memref_squeeze %dma_start3A_103 : memref<1x16000xf32, #tpu.memory_space<vmem>> -> memref<16000xf32, #tpu.memory_space<vmem>>
      %dma_start3A_105 = arith.constant 0 : i32
      %dma_start3A_106 = tpu.memref_slice %arg12[%dma_start3A, %dma_start3A_105] : memref<8x16000xf32, #tpu.memory_space<vmem>> -> memref<1x16000xf32, #tpu.memory_space<vmem>>
      %dma_start3A_107 = tpu.memref_squeeze %dma_start3A_106 : memref<1x16000xf32, #tpu.memory_space<vmem>> -> memref<16000xf32, #tpu.memory_space<vmem>>
      tpu.enqueue_dma source(%arg10 : memref<16000xf32, #tpu.memory_space<hbm>>) target(%dma_start3A_107 : memref<16000xf32, #tpu.memory_space<vmem>>) target_semaphore(%arg13 : memref<!tpu.dma_semaphore, #tpu.memory_space<semaphore_mem>>)
    } else {
    }
    %lt3A_60 = arith.constant 20 : i32
    %lt3A_61 = arith.cmpi slt, %add3A, %lt3A_60 : i32
    %and3A_62 = arith.andi %lt3A_1, %lt3A_61 : i1
    %convert_element_type3A_63 = arith.extui %and3A_62 : i1 to i32
    %cond3A_64 = arith.constant 0 : i32
    %cond3A_65 = arith.cmpi ne, %convert_element_type3A_63, %cond3A_64 : i32
    scf.if %cond3A_65 {
      %dma_start3A = arith.constant 5 : i32
      %dma_start3A_102 = arith.constant 0 : i32
      %dma_start3A_103 = tpu.memref_slice %arg12[%dma_start3A, %dma_start3A_102] : memref<8x16000xf32, #tpu.memory_space<vmem>> -> memref<1x16000xf32, #tpu.memory_space<vmem>>
      %dma_start3A_104 = tpu.memref_squeeze %dma_start3A_103 : memref<1x16000xf32, #tpu.memory_space<vmem>> -> memref<16000xf32, #tpu.memory_space<vmem>>
      %dma_start3A_105 = tpu.memref_slice %arg7[%multiple_of3A] : memref<320000xf32, #tpu.memory_space<hbm>> -> memref<16000xf32, #tpu.memory_space<hbm>>
      %dma_start3A_106 = arith.constant 0 : i32
      %dma_start3A_107 = tpu.memref_slice %arg12[%dma_start3A, %dma_start3A_106] : memref<8x16000xf32, #tpu.memory_space<vmem>> -> memref<1x16000xf32, #tpu.memory_space<vmem>>
      %dma_start3A_108 = tpu.memref_squeeze %dma_start3A_107 : memref<1x16000xf32, #tpu.memory_space<vmem>> -> memref<16000xf32, #tpu.memory_space<vmem>>
      %dma_start3A_109 = tpu.memref_slice %arg7[%multiple_of3A] : memref<320000xf32, #tpu.memory_space<hbm>> -> memref<16000xf32, #tpu.memory_space<hbm>>
      tpu.enqueue_dma source(%dma_start3A_109 : memref<16000xf32, #tpu.memory_space<hbm>>) target(%dma_start3A_108 : memref<16000xf32, #tpu.memory_space<vmem>>) target_semaphore(%arg13 : memref<!tpu.dma_semaphore, #tpu.memory_space<semaphore_mem>>)
    } else {
    }
    %not3A_66 = arith.constant true
    %not3A_67 = arith.xori %lt3A_61, %not3A_66 : i1
    %and3A_68 = arith.andi %lt3A_1, %not3A_67 : i1
    %convert_element_type3A_69 = arith.extui %and3A_68 : i1 to i32
    %cond3A_70 = arith.constant 0 : i32
    %cond3A_71 = arith.cmpi ne, %convert_element_type3A_69, %cond3A_70 : i32
    scf.if %cond3A_71 {
      %dma_start3A = arith.constant 5 : i32
      %dma_start3A_102 = arith.constant 0 : i32
      %dma_start3A_103 = tpu.memref_slice %arg12[%dma_start3A, %dma_start3A_102] : memref<8x16000xf32, #tpu.memory_space<vmem>> -> memref<1x16000xf32, #tpu.memory_space<vmem>>
      %dma_start3A_104 = tpu.memref_squeeze %dma_start3A_103 : memref<1x16000xf32, #tpu.memory_space<vmem>> -> memref<16000xf32, #tpu.memory_space<vmem>>
      %dma_start3A_105 = arith.constant 0 : i32
      %dma_start3A_106 = tpu.memref_slice %arg12[%dma_start3A, %dma_start3A_105] : memref<8x16000xf32, #tpu.memory_space<vmem>> -> memref<1x16000xf32, #tpu.memory_space<vmem>>
      %dma_start3A_107 = tpu.memref_squeeze %dma_start3A_106 : memref<1x16000xf32, #tpu.memory_space<vmem>> -> memref<16000xf32, #tpu.memory_space<vmem>>
      tpu.enqueue_dma source(%arg10 : memref<16000xf32, #tpu.memory_space<hbm>>) target(%dma_start3A_107 : memref<16000xf32, #tpu.memory_space<vmem>>) target_semaphore(%arg13 : memref<!tpu.dma_semaphore, #tpu.memory_space<semaphore_mem>>)
    } else {
    }
    %lt3A_72 = arith.constant 18 : i32
    %lt3A_73 = arith.cmpi slt, %add3A, %lt3A_72 : i32
    %and3A_74 = arith.andi %lt3A_1, %lt3A_73 : i1
    %convert_element_type3A_75 = arith.extui %and3A_74 : i1 to i32
    %cond3A_76 = arith.constant 0 : i32
    %cond3A_77 = arith.cmpi ne, %convert_element_type3A_75, %cond3A_76 : i32
    scf.if %cond3A_77 {
      %dma_start3A = arith.constant 6 : i32
      %dma_start3A_102 = arith.constant 0 : i32
      %dma_start3A_103 = tpu.memref_slice %arg12[%dma_start3A, %dma_start3A_102] : memref<8x16000xf32, #tpu.memory_space<vmem>> -> memref<1x16000xf32, #tpu.memory_space<vmem>>
      %dma_start3A_104 = tpu.memref_squeeze %dma_start3A_103 : memref<1x16000xf32, #tpu.memory_space<vmem>> -> memref<16000xf32, #tpu.memory_space<vmem>>
      %dma_start3A_105 = tpu.memref_slice %arg8[%multiple_of3A] : memref<288000xf32, #tpu.memory_space<hbm>> -> memref<16000xf32, #tpu.memory_space<hbm>>
      %dma_start3A_106 = arith.constant 0 : i32
      %dma_start3A_107 = tpu.memref_slice %arg12[%dma_start3A, %dma_start3A_106] : memref<8x16000xf32, #tpu.memory_space<vmem>> -> memref<1x16000xf32, #tpu.memory_space<vmem>>
      %dma_start3A_108 = tpu.memref_squeeze %dma_start3A_107 : memref<1x16000xf32, #tpu.memory_space<vmem>> -> memref<16000xf32, #tpu.memory_space<vmem>>
      %dma_start3A_109 = tpu.memref_slice %arg8[%multiple_of3A] : memref<288000xf32, #tpu.memory_space<hbm>> -> memref<16000xf32, #tpu.memory_space<hbm>>
      tpu.enqueue_dma source(%dma_start3A_109 : memref<16000xf32, #tpu.memory_space<hbm>>) target(%dma_start3A_108 : memref<16000xf32, #tpu.memory_space<vmem>>) target_semaphore(%arg13 : memref<!tpu.dma_semaphore, #tpu.memory_space<semaphore_mem>>)
    } else {
    }
    %not3A_78 = arith.constant true
    %not3A_79 = arith.xori %lt3A_73, %not3A_78 : i1
    %and3A_80 = arith.andi %lt3A_1, %not3A_79 : i1
    %convert_element_type3A_81 = arith.extui %and3A_80 : i1 to i32
    %cond3A_82 = arith.constant 0 : i32
    %cond3A_83 = arith.cmpi ne, %convert_element_type3A_81, %cond3A_82 : i32
    scf.if %cond3A_83 {
      %dma_start3A = arith.constant 6 : i32
      %dma_start3A_102 = arith.constant 0 : i32
      %dma_start3A_103 = tpu.memref_slice %arg12[%dma_start3A, %dma_start3A_102] : memref<8x16000xf32, #tpu.memory_space<vmem>> -> memref<1x16000xf32, #tpu.memory_space<vmem>>
      %dma_start3A_104 = tpu.memref_squeeze %dma_start3A_103 : memref<1x16000xf32, #tpu.memory_space<vmem>> -> memref<16000xf32, #tpu.memory_space<vmem>>
      %dma_start3A_105 = arith.constant 0 : i32
      %dma_start3A_106 = tpu.memref_slice %arg12[%dma_start3A, %dma_start3A_105] : memref<8x16000xf32, #tpu.memory_space<vmem>> -> memref<1x16000xf32, #tpu.memory_space<vmem>>
      %dma_start3A_107 = tpu.memref_squeeze %dma_start3A_106 : memref<1x16000xf32, #tpu.memory_space<vmem>> -> memref<16000xf32, #tpu.memory_space<vmem>>
      tpu.enqueue_dma source(%arg10 : memref<16000xf32, #tpu.memory_space<hbm>>) target(%dma_start3A_107 : memref<16000xf32, #tpu.memory_space<vmem>>) target_semaphore(%arg13 : memref<!tpu.dma_semaphore, #tpu.memory_space<semaphore_mem>>)
    } else {
    }
    %lt3A_84 = arith.constant 16 : i32
    %lt3A_85 = arith.cmpi slt, %add3A, %lt3A_84 : i32
    %and3A_86 = arith.andi %lt3A_1, %lt3A_85 : i1
    %convert_element_type3A_87 = arith.extui %and3A_86 : i1 to i32
    %cond3A_88 = arith.constant 0 : i32
    %cond3A_89 = arith.cmpi ne, %convert_element_type3A_87, %cond3A_88 : i32
    scf.if %cond3A_89 {
      %dma_start3A = arith.constant 7 : i32
      %dma_start3A_102 = arith.constant 0 : i32
      %dma_start3A_103 = tpu.memref_slice %arg12[%dma_start3A, %dma_start3A_102] : memref<8x16000xf32, #tpu.memory_space<vmem>> -> memref<1x16000xf32, #tpu.memory_space<vmem>>
      %dma_start3A_104 = tpu.memref_squeeze %dma_start3A_103 : memref<1x16000xf32, #tpu.memory_space<vmem>> -> memref<16000xf32, #tpu.memory_space<vmem>>
      %dma_start3A_105 = tpu.memref_slice %arg9[%multiple_of3A] : memref<256000xf32, #tpu.memory_space<hbm>> -> memref<16000xf32, #tpu.memory_space<hbm>>
      %dma_start3A_106 = arith.constant 0 : i32
      %dma_start3A_107 = tpu.memref_slice %arg12[%dma_start3A, %dma_start3A_106] : memref<8x16000xf32, #tpu.memory_space<vmem>> -> memref<1x16000xf32, #tpu.memory_space<vmem>>
      %dma_start3A_108 = tpu.memref_squeeze %dma_start3A_107 : memref<1x16000xf32, #tpu.memory_space<vmem>> -> memref<16000xf32, #tpu.memory_space<vmem>>
      %dma_start3A_109 = tpu.memref_slice %arg9[%multiple_of3A] : memref<256000xf32, #tpu.memory_space<hbm>> -> memref<16000xf32, #tpu.memory_space<hbm>>
      tpu.enqueue_dma source(%dma_start3A_109 : memref<16000xf32, #tpu.memory_space<hbm>>) target(%dma_start3A_108 : memref<16000xf32, #tpu.memory_space<vmem>>) target_semaphore(%arg13 : memref<!tpu.dma_semaphore, #tpu.memory_space<semaphore_mem>>)
    } else {
    }
    %not3A_90 = arith.constant true
    %not3A_91 = arith.xori %lt3A_85, %not3A_90 : i1
    %and3A_92 = arith.andi %lt3A_1, %not3A_91 : i1
    %convert_element_type3A_93 = arith.extui %and3A_92 : i1 to i32
    %cond3A_94 = arith.constant 0 : i32
    %cond3A_95 = arith.cmpi ne, %convert_element_type3A_93, %cond3A_94 : i32
    scf.if %cond3A_95 {
      %dma_start3A = arith.constant 7 : i32
      %dma_start3A_102 = arith.constant 0 : i32
      %dma_start3A_103 = tpu.memref_slice %arg12[%dma_start3A, %dma_start3A_102] : memref<8x16000xf32, #tpu.memory_space<vmem>> -> memref<1x16000xf32, #tpu.memory_space<vmem>>
      %dma_start3A_104 = tpu.memref_squeeze %dma_start3A_103 : memref<1x16000xf32, #tpu.memory_space<vmem>> -> memref<16000xf32, #tpu.memory_space<vmem>>
      %dma_start3A_105 = arith.constant 0 : i32
      %dma_start3A_106 = tpu.memref_slice %arg12[%dma_start3A, %dma_start3A_105] : memref<8x16000xf32, #tpu.memory_space<vmem>> -> memref<1x16000xf32, #tpu.memory_space<vmem>>
      %dma_start3A_107 = tpu.memref_squeeze %dma_start3A_106 : memref<1x16000xf32, #tpu.memory_space<vmem>> -> memref<16000xf32, #tpu.memory_space<vmem>>
      tpu.enqueue_dma source(%arg10 : memref<16000xf32, #tpu.memory_space<hbm>>) target(%dma_start3A_107 : memref<16000xf32, #tpu.memory_space<vmem>>) target_semaphore(%arg13 : memref<!tpu.dma_semaphore, #tpu.memory_space<semaphore_mem>>)
    } else {
    }
    %convert_element_type3A_96 = arith.extui %lt3A_1 : i1 to i32
    %cond3A_97 = arith.constant 0 : i32
    %cond3A_98 = arith.cmpi ne, %convert_element_type3A_96, %cond3A_97 : i32
    scf.if %cond3A_98 {
      %dma_wait3A = arith.constant 0 : i32
      %dma_wait3A_102 = arith.constant 0 : i32
      %dma_wait3A_103 = tpu.memref_slice %arg12[%dma_wait3A, %dma_wait3A_102] : memref<8x16000xf32, #tpu.memory_space<vmem>> -> memref<1x16000xf32, #tpu.memory_space<vmem>>
      %dma_wait3A_104 = tpu.memref_squeeze %dma_wait3A_103 : memref<1x16000xf32, #tpu.memory_space<vmem>> -> memref<16000xf32, #tpu.memory_space<vmem>>
      %dma_wait3A_105 = tpu.memref_slice %arg2[%multiple_of3A] : memref<480000xf32, #tpu.memory_space<hbm>> -> memref<16000xf32, #tpu.memory_space<hbm>>
      %dma_wait3A_106 = arith.constant 0 : i32
      %dma_wait3A_107 = tpu.memref_slice %arg12[%dma_wait3A, %dma_wait3A_106] : memref<8x16000xf32, #tpu.memory_space<vmem>> -> memref<1x16000xf32, #tpu.memory_space<vmem>>
      %dma_wait3A_108 = tpu.memref_squeeze %dma_wait3A_107 : memref<1x16000xf32, #tpu.memory_space<vmem>> -> memref<16000xf32, #tpu.memory_space<vmem>>
      %dma_wait3A_109 = tpu.memref_slice %arg2[%multiple_of3A] : memref<480000xf32, #tpu.memory_space<hbm>> -> memref<16000xf32, #tpu.memory_space<hbm>>
      tpu.wait_dma2 semaphore(%arg13 : memref<!tpu.dma_semaphore, #tpu.memory_space<semaphore_mem>>) src(%dma_wait3A_109 : memref<16000xf32, #tpu.memory_space<hbm>>) dst(%dma_wait3A_108 : memref<16000xf32, #tpu.memory_space<vmem>>)
      %dma_wait3A_110 = arith.constant 1 : i32
      %dma_wait3A_111 = arith.constant 0 : i32
      %dma_wait3A_112 = tpu.memref_slice %arg12[%dma_wait3A_110, %dma_wait3A_111] : memref<8x16000xf32, #tpu.memory_space<vmem>> -> memref<1x16000xf32, #tpu.memory_space<vmem>>
      %dma_wait3A_113 = tpu.memref_squeeze %dma_wait3A_112 : memref<1x16000xf32, #tpu.memory_space<vmem>> -> memref<16000xf32, #tpu.memory_space<vmem>>
      %dma_wait3A_114 = tpu.memref_slice %arg3[%multiple_of3A] : memref<448000xf32, #tpu.memory_space<hbm>> -> memref<16000xf32, #tpu.memory_space<hbm>>
      %dma_wait3A_115 = arith.constant 0 : i32
      %dma_wait3A_116 = tpu.memref_slice %arg12[%dma_wait3A_110, %dma_wait3A_115] : memref<8x16000xf32, #tpu.memory_space<vmem>> -> memref<1x16000xf32, #tpu.memory_space<vmem>>
      %dma_wait3A_117 = tpu.memref_squeeze %dma_wait3A_116 : memref<1x16000xf32, #tpu.memory_space<vmem>> -> memref<16000xf32, #tpu.memory_space<vmem>>
      %dma_wait3A_118 = tpu.memref_slice %arg3[%multiple_of3A] : memref<448000xf32, #tpu.memory_space<hbm>> -> memref<16000xf32, #tpu.memory_space<hbm>>
      tpu.wait_dma2 semaphore(%arg13 : memref<!tpu.dma_semaphore, #tpu.memory_space<semaphore_mem>>) src(%dma_wait3A_118 : memref<16000xf32, #tpu.memory_space<hbm>>) dst(%dma_wait3A_117 : memref<16000xf32, #tpu.memory_space<vmem>>)
      %dma_wait3A_119 = arith.constant 2 : i32
      %dma_wait3A_120 = arith.constant 0 : i32
      %dma_wait3A_121 = tpu.memref_slice %arg12[%dma_wait3A_119, %dma_wait3A_120] : memref<8x16000xf32, #tpu.memory_space<vmem>> -> memref<1x16000xf32, #tpu.memory_space<vmem>>
      %dma_wait3A_122 = tpu.memref_squeeze %dma_wait3A_121 : memref<1x16000xf32, #tpu.memory_space<vmem>> -> memref<16000xf32, #tpu.memory_space<vmem>>
      %dma_wait3A_123 = tpu.memref_slice %arg4[%multiple_of3A] : memref<416000xf32, #tpu.memory_space<hbm>> -> memref<16000xf32, #tpu.memory_space<hbm>>
      %dma_wait3A_124 = arith.constant 0 : i32
      %dma_wait3A_125 = tpu.memref_slice %arg12[%dma_wait3A_119, %dma_wait3A_124] : memref<8x16000xf32, #tpu.memory_space<vmem>> -> memref<1x16000xf32, #tpu.memory_space<vmem>>
      %dma_wait3A_126 = tpu.memref_squeeze %dma_wait3A_125 : memref<1x16000xf32, #tpu.memory_space<vmem>> -> memref<16000xf32, #tpu.memory_space<vmem>>
      %dma_wait3A_127 = tpu.memref_slice %arg4[%multiple_of3A] : memref<416000xf32, #tpu.memory_space<hbm>> -> memref<16000xf32, #tpu.memory_space<hbm>>
      tpu.wait_dma2 semaphore(%arg13 : memref<!tpu.dma_semaphore, #tpu.memory_space<semaphore_mem>>) src(%dma_wait3A_127 : memref<16000xf32, #tpu.memory_space<hbm>>) dst(%dma_wait3A_126 : memref<16000xf32, #tpu.memory_space<vmem>>)
      %dma_wait3A_128 = arith.constant 3 : i32
      %dma_wait3A_129 = arith.constant 0 : i32
      %dma_wait3A_130 = tpu.memref_slice %arg12[%dma_wait3A_128, %dma_wait3A_129] : memref<8x16000xf32, #tpu.memory_space<vmem>> -> memref<1x16000xf32, #tpu.memory_space<vmem>>
      %dma_wait3A_131 = tpu.memref_squeeze %dma_wait3A_130 : memref<1x16000xf32, #tpu.memory_space<vmem>> -> memref<16000xf32, #tpu.memory_space<vmem>>
      %dma_wait3A_132 = tpu.memref_slice %arg5[%multiple_of3A] : memref<384000xf32, #tpu.memory_space<hbm>> -> memref<16000xf32, #tpu.memory_space<hbm>>
      %dma_wait3A_133 = arith.constant 0 : i32
      %dma_wait3A_134 = tpu.memref_slice %arg12[%dma_wait3A_128, %dma_wait3A_133] : memref<8x16000xf32, #tpu.memory_space<vmem>> -> memref<1x16000xf32, #tpu.memory_space<vmem>>
      %dma_wait3A_135 = tpu.memref_squeeze %dma_wait3A_134 : memref<1x16000xf32, #tpu.memory_space<vmem>> -> memref<16000xf32, #tpu.memory_space<vmem>>
      %dma_wait3A_136 = tpu.memref_slice %arg5[%multiple_of3A] : memref<384000xf32, #tpu.memory_space<hbm>> -> memref<16000xf32, #tpu.memory_space<hbm>>
      tpu.wait_dma2 semaphore(%arg13 : memref<!tpu.dma_semaphore, #tpu.memory_space<semaphore_mem>>) src(%dma_wait3A_136 : memref<16000xf32, #tpu.memory_space<hbm>>) dst(%dma_wait3A_135 : memref<16000xf32, #tpu.memory_space<vmem>>)
      %dma_wait3A_137 = arith.constant 4 : i32
      %dma_wait3A_138 = arith.constant 0 : i32
      %dma_wait3A_139 = tpu.memref_slice %arg12[%dma_wait3A_137, %dma_wait3A_138] : memref<8x16000xf32, #tpu.memory_space<vmem>> -> memref<1x16000xf32, #tpu.memory_space<vmem>>
      %dma_wait3A_140 = tpu.memref_squeeze %dma_wait3A_139 : memref<1x16000xf32, #tpu.memory_space<vmem>> -> memref<16000xf32, #tpu.memory_space<vmem>>
      %dma_wait3A_141 = tpu.memref_slice %arg6[%multiple_of3A] : memref<352000xf32, #tpu.memory_space<hbm>> -> memref<16000xf32, #tpu.memory_space<hbm>>
      %dma_wait3A_142 = arith.constant 0 : i32
      %dma_wait3A_143 = tpu.memref_slice %arg12[%dma_wait3A_137, %dma_wait3A_142] : memref<8x16000xf32, #tpu.memory_space<vmem>> -> memref<1x16000xf32, #tpu.memory_space<vmem>>
      %dma_wait3A_144 = tpu.memref_squeeze %dma_wait3A_143 : memref<1x16000xf32, #tpu.memory_space<vmem>> -> memref<16000xf32, #tpu.memory_space<vmem>>
      %dma_wait3A_145 = tpu.memref_slice %arg6[%multiple_of3A] : memref<352000xf32, #tpu.memory_space<hbm>> -> memref<16000xf32, #tpu.memory_space<hbm>>
      tpu.wait_dma2 semaphore(%arg13 : memref<!tpu.dma_semaphore, #tpu.memory_space<semaphore_mem>>) src(%dma_wait3A_145 : memref<16000xf32, #tpu.memory_space<hbm>>) dst(%dma_wait3A_144 : memref<16000xf32, #tpu.memory_space<vmem>>)
      %dma_wait3A_146 = arith.constant 5 : i32
      %dma_wait3A_147 = arith.constant 0 : i32
      %dma_wait3A_148 = tpu.memref_slice %arg12[%dma_wait3A_146, %dma_wait3A_147] : memref<8x16000xf32, #tpu.memory_space<vmem>> -> memref<1x16000xf32, #tpu.memory_space<vmem>>
      %dma_wait3A_149 = tpu.memref_squeeze %dma_wait3A_148 : memref<1x16000xf32, #tpu.memory_space<vmem>> -> memref<16000xf32, #tpu.memory_space<vmem>>
      %dma_wait3A_150 = tpu.memref_slice %arg7[%multiple_of3A] : memref<320000xf32, #tpu.memory_space<hbm>> -> memref<16000xf32, #tpu.memory_space<hbm>>
      %dma_wait3A_151 = arith.constant 0 : i32
      %dma_wait3A_152 = tpu.memref_slice %arg12[%dma_wait3A_146, %dma_wait3A_151] : memref<8x16000xf32, #tpu.memory_space<vmem>> -> memref<1x16000xf32, #tpu.memory_space<vmem>>
      %dma_wait3A_153 = tpu.memref_squeeze %dma_wait3A_152 : memref<1x16000xf32, #tpu.memory_space<vmem>> -> memref<16000xf32, #tpu.memory_space<vmem>>
      %dma_wait3A_154 = tpu.memref_slice %arg7[%multiple_of3A] : memref<320000xf32, #tpu.memory_space<hbm>> -> memref<16000xf32, #tpu.memory_space<hbm>>
      tpu.wait_dma2 semaphore(%arg13 : memref<!tpu.dma_semaphore, #tpu.memory_space<semaphore_mem>>) src(%dma_wait3A_154 : memref<16000xf32, #tpu.memory_space<hbm>>) dst(%dma_wait3A_153 : memref<16000xf32, #tpu.memory_space<vmem>>)
      %dma_wait3A_155 = arith.constant 6 : i32
      %dma_wait3A_156 = arith.constant 0 : i32
      %dma_wait3A_157 = tpu.memref_slice %arg12[%dma_wait3A_155, %dma_wait3A_156] : memref<8x16000xf32, #tpu.memory_space<vmem>> -> memref<1x16000xf32, #tpu.memory_space<vmem>>
      %dma_wait3A_158 = tpu.memref_squeeze %dma_wait3A_157 : memref<1x16000xf32, #tpu.memory_space<vmem>> -> memref<16000xf32, #tpu.memory_space<vmem>>
      %dma_wait3A_159 = tpu.memref_slice %arg8[%multiple_of3A] : memref<288000xf32, #tpu.memory_space<hbm>> -> memref<16000xf32, #tpu.memory_space<hbm>>
      %dma_wait3A_160 = arith.constant 0 : i32
      %dma_wait3A_161 = tpu.memref_slice %arg12[%dma_wait3A_155, %dma_wait3A_160] : memref<8x16000xf32, #tpu.memory_space<vmem>> -> memref<1x16000xf32, #tpu.memory_space<vmem>>
      %dma_wait3A_162 = tpu.memref_squeeze %dma_wait3A_161 : memref<1x16000xf32, #tpu.memory_space<vmem>> -> memref<16000xf32, #tpu.memory_space<vmem>>
      %dma_wait3A_163 = tpu.memref_slice %arg8[%multiple_of3A] : memref<288000xf32, #tpu.memory_space<hbm>> -> memref<16000xf32, #tpu.memory_space<hbm>>
      tpu.wait_dma2 semaphore(%arg13 : memref<!tpu.dma_semaphore, #tpu.memory_space<semaphore_mem>>) src(%dma_wait3A_163 : memref<16000xf32, #tpu.memory_space<hbm>>) dst(%dma_wait3A_162 : memref<16000xf32, #tpu.memory_space<vmem>>)
      %dma_wait3A_164 = arith.constant 7 : i32
      %dma_wait3A_165 = arith.constant 0 : i32
      %dma_wait3A_166 = tpu.memref_slice %arg12[%dma_wait3A_164, %dma_wait3A_165] : memref<8x16000xf32, #tpu.memory_space<vmem>> -> memref<1x16000xf32, #tpu.memory_space<vmem>>
      %dma_wait3A_167 = tpu.memref_squeeze %dma_wait3A_166 : memref<1x16000xf32, #tpu.memory_space<vmem>> -> memref<16000xf32, #tpu.memory_space<vmem>>
      %dma_wait3A_168 = tpu.memref_slice %arg9[%multiple_of3A] : memref<256000xf32, #tpu.memory_space<hbm>> -> memref<16000xf32, #tpu.memory_space<hbm>>
      %dma_wait3A_169 = arith.constant 0 : i32
      %dma_wait3A_170 = tpu.memref_slice %arg12[%dma_wait3A_164, %dma_wait3A_169] : memref<8x16000xf32, #tpu.memory_space<vmem>> -> memref<1x16000xf32, #tpu.memory_space<vmem>>
      %dma_wait3A_171 = tpu.memref_squeeze %dma_wait3A_170 : memref<1x16000xf32, #tpu.memory_space<vmem>> -> memref<16000xf32, #tpu.memory_space<vmem>>
      %dma_wait3A_172 = tpu.memref_slice %arg9[%multiple_of3A] : memref<256000xf32, #tpu.memory_space<hbm>> -> memref<16000xf32, #tpu.memory_space<hbm>>
      tpu.wait_dma2 semaphore(%arg13 : memref<!tpu.dma_semaphore, #tpu.memory_space<semaphore_mem>>) src(%dma_wait3A_172 : memref<16000xf32, #tpu.memory_space<hbm>>) dst(%dma_wait3A_171 : memref<16000xf32, #tpu.memory_space<vmem>>)
    } else {
    }
    %convert_element_type3A_99 = arith.extui %lt3A_1 : i1 to i32
    %cond3A_100 = arith.constant 0 : i32
    %cond3A_101 = arith.cmpi ne, %convert_element_type3A_99, %cond3A_100 : i32
    scf.if %cond3A_101 {
      %dma_start3A = arith.constant 0 : i32
      %dma_start3A_102 = tpu.memref_slice %arg11[%dma_start3A, %multiple_of3A] : memref<8x480000xf32, #tpu.memory_space<hbm>> -> memref<8x16000xf32, #tpu.memory_space<hbm>>
      %dma_start3A_103 = arith.constant 0 : i32
      %dma_start3A_104 = tpu.memref_slice %arg11[%dma_start3A_103, %multiple_of3A] : memref<8x480000xf32, #tpu.memory_space<hbm>> -> memref<8x16000xf32, #tpu.memory_space<hbm>>
      tpu.enqueue_dma source(%arg12 : memref<8x16000xf32, #tpu.memory_space<vmem>>) target(%dma_start3A_104 : memref<8x16000xf32, #tpu.memory_space<hbm>>) target_semaphore(%arg14 : memref<!tpu.dma_semaphore, #tpu.memory_space<semaphore_mem>>)
      %dma_wait3A = arith.constant 0 : i32
      %dma_wait3A_105 = tpu.memref_slice %arg11[%dma_wait3A, %multiple_of3A] : memref<8x480000xf32, #tpu.memory_space<hbm>> -> memref<8x16000xf32, #tpu.memory_space<hbm>>
      %dma_wait3A_106 = arith.constant 0 : i32
      %dma_wait3A_107 = tpu.memref_slice %arg11[%dma_wait3A_106, %multiple_of3A] : memref<8x480000xf32, #tpu.memory_space<hbm>> -> memref<8x16000xf32, #tpu.memory_space<hbm>>
      tpu.wait_dma2 semaphore(%arg14 : memref<!tpu.dma_semaphore, #tpu.memory_space<semaphore_mem>>) src(%arg12 : memref<8x16000xf32, #tpu.memory_space<vmem>>) dst(%dma_wait3A_107 : memref<8x16000xf32, #tpu.memory_space<hbm>>)
    } else {
    }
    return
  }
}

</mosaic_0001>

<sc_bundles>
// kernel: _pad_stack.3.cloned.1.call-start
scs
__scs_entry_jumppad:
0x0: {  	(pc) =	sbr.rel $0x88, $3  }
0x1: {  	(tag) =	ssettag $0x0;
	lr =	simm.s32 $0x1  }
0x2: {  	[smem:$0x3F99] =	sst lr;
	_ =	strace $0xD0000000  }
0x3: {  	_ = 	snop  }
0x4: {  	_ = 	snop  }
0x5: {  	_ = 	snop  }
0x6: {  	_ = 	snop  }
0x7: {  	_ = 	snop  }
__scs_overlays_trampoline_lowered:
0x8: {  	[smem:$0x3FA8] =	sst s0  }
0x9: {  	[smem:$0x3FA9] =	sst s1  }
0xa: {  	[smem:$0x3FAA] =	sst s2  }
0xb: {  	[smem:$0x3FAB] =	sst s3  }
0xc: {  	[smem:$0x3FAC] =	sst s4  }
0xd: {  	[smem:$0x3FAD] =	sst s5  }
0xe: {  	[smem:$0x3FAE] =	sst s6  }
0xf: {  	[smem:$0x3FAF] =	sst s7  }
0x10: {  	[smem:$0x3FB0] =	sst s8  }
0x11: {  	[smem:$0x3FB1] =	sst s9;
	s0 =	simm.s32 @!p0 $0x0  }
0x12: {  	s1 =	sld [smem:$0x3F97];
	s0 =	simm.s32 @p0 $0x1  }
0x13: {  	[smem:$0x3FB2] =	sst s0;
	s0 =	simm.s32 @!p1 $0x0  }
0x14: {  	s2 =	sld [smem:$0x3F96];
	s0 =	simm.s32 @p1 $0x1  }
0x15: {  	[smem:$0x3FB3] =	sst s0;
	s0 =	simm.s32 @!p2 $0x0  }
0x16: {  	s3 =	sld [smem:$0x3FDB];
	s0 =	simm.s32 @p2 $0x1  }
0x17: {  	s4 =	simm.s32 $0x1BF5;
	[smem:$0x3FB5] =	sst s0  }
0x18: {  	s0 =	sld [smem:$0x3F98];
	_ =	swait.ge [sflag:s4], $0x0  }
0x19: {  	s7 =	sld [smem:$0x3F99]  }
0x1a: {  	s8 =	sadd.s32 $0xFFFFE003, lr  }
0x1b: {  	s9 =	sadd.s32 $0xFFFFFEF7, lr;
	s5 =	simm.s32 $0xFFFFFFFF;
	p2 =	slt.u32 s8, $0xFFFFF086  }
0x1c: {  	p1 =	slt.u32 s9, $0xF7A;
	s5 =	simm.s32 @!p2 $0x0  }
0x1d: {  	s5 =	simm.s32 @p1 $0x1;
	p0 =	seq.s32 s7, s2  }
0x1e: {  	s7 =	smul.u32 @!p0 $0xF7A, s2;
	p2 =	seq.s32 @!p0 s5, $0x0  }
0x1f: {  	s9 =	smul.u32 $0xF7A, s1;
	s8 =	simm.s32 @!p0 $0x1BF5;
	p2 =	por !p2, p0  }
0x20: {  	[sflag:s8] =	ssyncset.s32 @!p0 $0xFFFFF086;
	s6 =	sadd.s32 @!p0 s3, s7;
	s7 =	simm.s32 @!p0 $0x108  }
0x21: {  	s3 =	sadd.s32 s3, s9;
	s6 =	sadd.s32 @!p0 $0x88, s6;
	s7 =	simm.s32 @p2 $0x1082  }
0x22: {  	[simem:s7], [sflag:s8] =	dma.local @!p0 [hbm:s6], $0xF7A  }
0x23: {  	s9 =	sor.u32 $0xD0000000, s2;
	s6 =	simm.s32 $0x108;
	_ =	swait.ge @!p0 [sflag:s8], $0x0  }
0x24: {  	s3 =	sadd.s32 $0x88, s3;
	s6 =	simm.s32 @!p1 $0x1082;
	[sflag:s4] =	ssyncset.s32 $0xFFFFF086  }
0x25: {  	[simem:s6], [sflag:s4] =	dma.local [hbm:s3], $0xF7A  }
0x26: {  	[smem:$0x3F99] =	sst s1;
	(tag) =	ssettag s2;
	_ =	strace s9  }
0x27: {  	s1 =	sld [smem:$0x3FA9]  }
0x28: {  	s2 =	sld [smem:$0x3FAA]  }
0x29: {  	s4 =	sld [smem:$0x3FAC]  }
0x2a: {  	p0 =	seq.s32 s5, $0x0;
	s5 =	sld [smem:$0x3FAD]  }
0x2b: {  	s6 =	sld [smem:$0x3FAE]  }
0x2c: {  	s7 =	sld [smem:$0x3FAF]  }
0x2d: {  	s3 =	simm.s32 $0x108;
	s8 =	sld [smem:$0x3FB0]  }
0x2e: {  	s3 =	simm.s32 @!p0 $0x1082;
	s9 =	sld [smem:$0x3FB1]  }
0x2f: {  	lr =	sadd.s32 s0, s3;
	s0 =	sld [smem:$0x3FA8]  }
0x30: {  	s3 =	sld [smem:$0x3FAB]  }
0x31: {  	[smem:$0x3FB4] =	sst s10  }
0x32: {  	s10 =	sld [smem:$0x3FB2];
	_ =	sdelay $0x3  }
0x33: {  	p0 =	seq.s32 s10, $0x1;
	s10 =	sld [smem:$0x3FB4];
	_ =	sdelay $0x3  }
0x34: {  	[smem:$0x3FB4] =	sst s10  }
0x35: {  	s10 =	sld [smem:$0x3FB3];
	_ =	sdelay $0x3  }
0x36: {  	p1 =	seq.s32 s10, $0x1;
	s10 =	sld [smem:$0x3FB4];
	_ =	sdelay $0x3  }
0x37: {  	[smem:$0x3FB4] =	sst s10  }
0x38: {  	s10 =	sld [smem:$0x3FB5]  }
0x39: {  	_ = 	snop;
	(pc) =	sbr.ind lr, $3  }
0x3a: {  	_ = 	snop  }
0x3b: {  	_ = 	snop  }
0x3c: {  	p2 =	seq.s32 s10, $0x1;
	s10 =	sld [smem:$0x3FB4]  }
0x3d: {  	_ =	shalt  }
0x3e: {  	_ =	shalt  }
0x3f: {  	_ =	shalt  }
0x40: {  	_ =	shalt  }
0x41: {  	_ =	shalt  }
0x42: {  	_ =	shalt  }
0x43: {  	_ =	shalt  }
0x44: {  	_ =	shalt  }
0x45: {  	_ =	shalt  }
0x46: {  	_ =	shalt  }
0x47: {  	_ =	shalt  }
0x48: {  	_ =	shalt  }
0x49: {  	_ =	shalt  }
0x4a: {  	_ =	shalt  }
0x4b: {  	_ =	shalt  }
0x4c: {  	_ =	shalt  }
0x4d: {  	_ =	shalt  }
0x4e: {  	_ =	shalt  }
0x4f: {  	_ =	shalt  }
0x50: {  	_ =	shalt  }
0x51: {  	_ =	shalt  }
0x52: {  	_ =	shalt  }
0x53: {  	_ =	shalt  }
0x54: {  	_ =	shalt  }
0x55: {  	_ =	shalt  }
0x56: {  	_ =	shalt  }
0x57: {  	_ =	shalt  }
0x58: {  	_ =	shalt  }
0x59: {  	_ =	shalt  }
0x5a: {  	_ =	shalt  }
0x5b: {  	_ =	shalt  }
0x5c: {  	_ =	shalt  }
0x5d: {  	_ =	shalt  }
0x5e: {  	_ =	shalt  }
0x5f: {  	_ =	shalt  }
0x60: {  	_ =	shalt  }
0x61: {  	_ =	shalt  }
0x62: {  	_ =	shalt  }
0x63: {  	_ =	shalt  }
0x64: {  	_ =	shalt  }
0x65: {  	_ =	shalt  }
0x66: {  	_ =	shalt  }
0x67: {  	_ =	shalt  }
0x68: {  	_ =	shalt  }
0x69: {  	_ =	shalt  }
0x6a: {  	_ =	shalt  }
0x6b: {  	_ =	shalt  }
0x6c: {  	_ =	shalt  }
0x6d: {  	_ =	shalt  }
0x6e: {  	_ =	shalt  }
0x6f: {  	_ =	shalt  }
0x70: {  	_ =	shalt  }
0x71: {  	_ =	shalt  }
0x72: {  	_ =	shalt  }
0x73: {  	_ =	shalt  }
0x74: {  	_ =	shalt  }
0x75: {  	_ =	shalt  }
0x76: {  	_ =	shalt  }
0x77: {  	_ =	shalt  }
0x78: {  	_ =	shalt  }
0x79: {  	_ =	shalt  }
0x7a: {  	_ =	shalt  }
0x7b: {  	_ =	shalt  }
0x7c: {  	_ =	shalt  }
0x7d: {  	_ =	shalt  }
0x7e: {  	_ =	shalt  }
0x7f: {  	_ =	shalt  }
0x80: {  	_ =	shalt  }
0x81: {  	_ =	shalt  }
0x82: {  	_ =	shalt  }
0x83: {  	_ =	shalt  }
0x84: {  	_ =	shalt  }
0x85: {  	_ =	shalt  }
0x86: {  	_ =	shalt  }
0x87: {  	_ =	shalt  }
.Lfunc_end0:
.L_simem_size_0:
called_computation_lowered:
.L_overlay_start_0:
0x88: {  	s2 =	sld [smem:$0x3FD9]  }
0x89: {  	s3 =	sld [smem:$0x3FFE];
	_ =	sdelay $0x1  }
0x8a: {  	s1 =	srdreg.scid  }
0x8b: {  	s0 =	sand.u32 $0x1, s1  }
0x8c: {  	s17 =	sshll.u32 s0, $0xA;
	s2 =	sadd.s32 s3, s2  }
0x8d: {  	s2 =	sadd.s32 s2, s17  }
0x8e: {  	[smem:$0x3FC0] =	sst s2  }
0x8f: {  	_ = 	snop  }
0x90: {  	s2 =	sld [smem:$0x3FC9]  }
0x91: {  	s18 =	sld [smem:$0x3FC8]  }
0x92: {  	s4 =	sld [smem:$0x3FC7]  }
0x93: {  	s5 =	sld [smem:$0x3FC6]  }
0x94: {  	s6 =	sld [smem:$0x3FC5]  }
0x95: {  	s7 =	sld [smem:$0x3FC4]  }
0x96: {  	s8 =	sld [smem:$0x3FC3]  }
0x97: {  	s9 =	sld [smem:$0x3FC2]  }
0x98: {  	s10 =	sld [smem:$0x3FD0];
	(tm) =	ssettm $0x1  }
0x99: {  	s11 =	sld [smem:$0x3FFB];
	_ =	sdelay $0x3  }
0x9a: {  	_ =	strace s11  }
0x9b: {  	s11 =	sld [smem:$0x3FFC];
	_ =	sdelay $0x3  }
0x9c: {  	_ =	strace s11  }
0x9d: {  	s11 =	sld [smem:$0x3FFD];
	_ =	sdelay $0x3  }
0x9e: {  	_ =	strace s11  }
0x9f: {  	_ =	strace $0x8FFFFFFF  }
0xa0: {  	s19 =	sld [smem:$0x3FDB];
	_ =	sdelay $0x1  }
0xa1: {  	s12 =	simm.s32 $_scs_section_size  }
0xa2: {  	s13 =	simm.s32 $_size__tile_overlayer_lowered;
	s14 =	simm.s32 $_tile_overlayer_lowered  }
0xa3: {  	s22 =	simm.s32 $0x1BFF;
	s21 =	sshll.u32 s14, $0x1;
	s11 =	sadd.s32 s12, s19  }
0xa4: {  	s15 =	simm.s32 $0x0;
	s20 =	sshll.u32 s13, $0x1;
	s13 =	sadd.s32 s21, s11  }
0xa5: {  	[timem:s15], [sflag:s22] =	dma.local [hbm:s13], s20  }
0xa6: {  	_ =	swait.ge [sflag:s22], s20  }
0xa7: {  	s12 =	ssub.s32 $0x0, s20;
	[sflag:s22] =	ssyncset.done $0x0  }
0xa8: {  	[sflag:s22] =	ssyncadd.s32 s12;
	_ =	sdelay $0x1  }
0xa9: {  	s23 =	simm.s32 $0x1B8B  }
0xaa: {  	_ =	swait.ge [sflag:s23], $0x1  }
0xab: {  	[sflag:s23] =	ssyncset.done $0x0  }
0xac: {  	s25 =	simm.s32 $0x1B8E;
	s24 =	sld [smem:$0x3FFE];
	[sflag:s23] =	ssyncadd.s32 $0xFFFFFFFF  }
0xad: {  	s26 =	simm.s32 $execute0_lowered;
	[smem:$0x3FD2] =	sst s25  }
0xae: {  	s13 =	sshll.u32 s26, $0x1;
	_ =	strace $0x80000046;
	[dreg:$0x1] =	wrdreg $0xFFFFFFFF  }
0xaf: {  	s28 =	simm.s32 $_size_execute0_lowered;
	s11 =	sadd.s32 s11, s13;
	[dreg:$0x0] =	wrdreg $0x0  }
0xb0: {  	s13 =	sshll.u32 s28, $0x1;
	[dreg:$0x2] =	wrdreg s11  }
0xb1: {  	[dreg:$0x3] =	wrdreg s13  }
0xb2: {  	[dreg:$0x4] =	wrdreg $0xC0  }
0xb3: {  	_ =	task [dreg:s15], $0x5FFFF  }
0xb4: {  	[dreg:$0x1] =	wrdreg $0xFFFFFFFF  }
0xb5: {  	[dreg:$0x0] =	wrdreg $0x60  }
0xb6: {  	[dreg:$0x2] =	wrdreg s2  }
0xb7: {  	[dreg:$0x3] =	wrdreg s18  }
0xb8: {  	[dreg:$0x4] =	wrdreg s4  }
0xb9: {  	[dreg:$0x5] =	wrdreg s5  }
0xba: {  	[dreg:$0x6] =	wrdreg s6  }
0xbb: {  	[dreg:$0x7] =	wrdreg s7  }
0xbc: {  	[dreg:$0x8] =	wrdreg s8  }
0xbd: {  	[dreg:$0x9] =	wrdreg s9  }
0xbe: {  	[dreg:$0xa] =	wrdreg s24  }
0xbf: {  	[dreg:$0xb] =	wrdreg s10  }
0xc0: {  	[dreg:$0xc] =	wrdreg $0x9  }
0xc1: {  	_ =	task.clear_ibuf [dreg:s15], $0xDFFFF;
	_ =	strace $0x90000046  }
0xc2: {  	s29 =	simm.s32 $0x9;
	_ =	strace $0x80000048  }
0xc3: {  	_ =	swait.ge [sflag:s29], $0x1  }
0xc4: {  	[sflag:s29] =	ssyncadd.s32 $0xFFFFFFFF  }
0xc5: {  	_ =	strace $0x90000048  }
0xc6: {  	_ =	sfence  }
0xc7: {  	s30 =	sld [smem:$0x0];
	_ =	sdelay $0x2  }
0xc8: {  	s31 =	sshll.u32 s1, $0xD;
	s1 =	sshrl.u32 s1, $0x2  }
0xc9: {  	s3 =	sand.u32 $0x4000, s31;
	s1 =	sadd.s32 s1, s30  }
0xca: {  	s0 =	sor.u32 s3, s0;
	s1 =	sshll.u32 s1, $0x11  }
0xcb: {  	s0 =	sor.u32 s1, s0  }
0xcc: {  	s0 =	sadd.s32 $0x8F2B, s0  }
0xcd: {  	[sflag:s0] =	ssyncadd.remote.s32 $0x1  }
0xce: {  	_ =	sfence.sel $0xFFFF  }
0xcf: {  	[dreg:$0x0] =	wrdreg $0xFFFFFFFF;
	(pc) =	sbr.abs _section_cstart, $3  }
0xd0: {  	[dreg:$0x1] =	wrdreg $0xFFFFFFFF  }
0xd1: {  	_ =	task.clear_ibuf [dreg:s15], $0x2FFFF;
	_ =	strace $0x9FFFFFFF  }
0xd2: {  	(tm) =	ssettm $0x7FFFFFFF  }
0xd3: {  	_ =	shalt  }
tec
execute0_lowered:
.L_overlay_start_1:
0x0: {  	(tag) =	ssettag $0x1  }
0x1: {  	s4 =	rddreg [dreg:$0x0]  }
0x2: {  	s5 =	rddreg [dreg:$0x1]  }
0x3: {  	s6 =	rddreg [dreg:$0x2]  }
0x4: {  	s7 =	rddreg [dreg:$0x3]  }
0x5: {  	s8 =	rddreg [dreg:$0x4]  }
0x6: {  	s9 =	rddreg [dreg:$0x5]  }
0x7: {  	s10 =	rddreg [dreg:$0x6]  }
0x8: {  	s11 =	rddreg [dreg:$0x7]  }
0x9: {  	s3 =	rddreg [dreg:$0x8];
	s1 =	srdreg.scid  }
0xa: {  	s0 =	stileid.u32;
	s12 =	rddreg [dreg:$0x9];
	s2 =	simm.s32 $0x0  }
0xb: {  	s13 =	sand.u32 $0x1, s1;
	s14 =	sshll.u32 s0, $0x1;
	s1 =	rddreg [dreg:$0xa]  }
0xc: {  	[smem:$0x7FF] =	sst s2;
	s3 =	sadd.s32 $0x400, s3;
	p0 =	seq.s32 s0, $0xF  }
0xd: {  	p2 =	sgt.u32 s0, $0x8;
	p4 =	sgt.u32 s0, $0x7;
	p6 =	sgt.u32 s0, $0xD  }
0xe: {  	s15 =	sor.u32 s13, s14;
	_ =	strace $0x80000047;
	s13 =	ssub.s32 $0x2, s13  }
0xf: {  	s30 =	sadd.s32 $0xFFFFFFE6, s14;
	s18 =	sadd.s32 $0xFFFFFFE8, s14;
	s19 =	sadd.s32 $0xFFFFFFEA, s14  }
0x10: {  	s20 =	sadd.s32 $0xFFFFFFEC, s14;
	s21 =	sadd.s32 $0xFFFFFFEE, s14;
	s31 =	sadd.s32 $0xFFFFFFF0, s14  }
0x11: {  	s15 =	smul.u32 $0x3E80, s15;
	s16 =	sshrl.u32 s13, $0x1;
	p1 =	sgt.u32 s30, $0x3  }
0x12: {  	p3 =	sgt.u32 s21, $0xB;
	p5 =	sgt.u32 s31, $0xD;
	s13 =	ssub.s32 s13, s16  }
0x13: {  	s14 =	simm.s32 @!p1 $0x0;
	s17 =	sshrl.u32 s15, $0x3;
	s12 =	sadd.s32 s12, s15  }
0x14: {  	s13 =	smax.u32 s13, $0x1;
	s14 =	simm.s32 @p1 $0x1;
	p1 =	sgt.u32 s0, $0xB  }
0x15: {  	s15 =	simm.s32 @!p6 $0x0;
	s4 =	sadd.s32 s4, s17;
	s5 =	sadd.s32 s5, s17  }
0x16: {  	s6 =	sadd.s32 s6, s17;
	s7 =	sadd.s32 s7, s17;
	s8 =	sadd.s32 s8, s17  }
0x17: {  	s9 =	sadd.s32 s9, s17;
	s10 =	sadd.s32 s10, s17;
	[smem:$0x7F5] =	sst s14  }
0x18: {  	s14 =	simm.s32 @!p1 $0x0;
	s15 =	simm.s32 @p6 $0x1;
	p6 =	sgt.u32 s0, $0xC  }
0x19: {  	s14 =	simm.s32 @p1 $0x1;
	p1 =	sgt.u32 s18, $0x5;
	[smem:$0x7FB] =	sst s15  }
0x1a: {  	s15 =	simm.s32 @!p6 $0x0;
	[smem:$0x7F6] =	sst s14;
	s14 =	simm.s32 @!p1 $0x0  }
0x1b: {  	s15 =	simm.s32 @p6 $0x1;
	s14 =	simm.s32 @p1 $0x1;
	p1 =	sgt.u32 s0, $0xA  }
0x1c: {  	p6 =	sne.s32 s0, $0xE;
	[smem:$0x7F7] =	sst s14;
	s14 =	simm.s32 @!p1 $0x0  }
0x1d: {  	[smem:$0x7FC] =	sst s15;
	s14 =	simm.s32 @p1 $0x1;
	p1 =	sgt.u32 s19, $0x7  }
.Ltmp0:
0x1e: {  	[smem:$0x7F8] =	sst s14;
	s14 =	simm.s32 @!p1 $0x0;
	(pc) =	sbr.rel .LBB2_1-.Ltmp0, $4  }
0x1f: {  	s15 =	simm.s32 @!p6 $0x0;
	s14 =	simm.s32 @p1 $0x1;
	p1 =	sgt.u32 s0, $0x9  }
0x20: {  	s15 =	simm.s32 @p6 $0x1;
	[smem:$0x7F9] =	sst s14;
	s14 =	simm.s32 @!p1 $0x0  }
0x21: {  	s11 =	sadd.s32 s11, s17;
	[smem:$0x7FD] =	sst s15;
	s14 =	simm.s32 @p1 $0x1  }
0x22: {  	p1 =	sgt.u32 s20, $0x9;
	[smem:$0x7FA] =	sst s14;
	s14 =	simm.s32 $0x0  }
.LBB2_58:
0x23: {  	[tilespmem:s15], [sflag:$0x1] =	stream.linear.gather [hbm4b:s18+s2], $0x80, $0x38;
	[tilespmem:$0x1F400] =	vst v63  }
.LBB2_59:
0x24: {  	s15 =	simm.s32 @!p0 $0x1  }
0x25: {  	_ =	swait.ge @!p0 [sflag:s15], $0x3E80  }
0x26: {  	[sflag:s15] =	ssyncset.done @!p0 $0x0  }
0x27: {  	[sflag:s15] =	ssyncadd.s32 @!p0 $0xFFFFC180  }
0x28: {  	_ =	swait.ge @!p0 [sflag:s15], $0x3E80  }
0x29: {  	[sflag:s15] =	ssyncset.done @!p0 $0x0  }
0x2a: {  	[sflag:s15] =	ssyncadd.s32 @!p0 $0xFFFFC180  }
0x2b: {  	_ =	swait.ge @!p0 [sflag:s15], $0x3E80  }
0x2c: {  	[sflag:s15] =	ssyncset.done @!p0 $0x0  }
0x2d: {  	[sflag:s15] =	ssyncadd.s32 @!p0 $0xFFFFC180  }
0x2e: {  	_ =	swait.ge @!p0 [sflag:s15], $0x3E80  }
0x2f: {  	[sflag:s15] =	ssyncset.done @!p0 $0x0  }
0x30: {  	[sflag:s15] =	ssyncadd.s32 @!p0 $0xFFFFC180  }
0x31: {  	_ =	swait.ge @!p0 [sflag:s15], $0x3E80  }
0x32: {  	[sflag:s15] =	ssyncset.done @!p0 $0x0  }
0x33: {  	[sflag:s15] =	ssyncadd.s32 @!p0 $0xFFFFC180  }
0x34: {  	_ =	swait.ge @!p0 [sflag:s15], $0x3E80  }
0x35: {  	[sflag:s15] =	ssyncset.done @!p0 $0x0  }
0x36: {  	[sflag:s15] =	ssyncadd.s32 @!p0 $0xFFFFC180  }
0x37: {  	_ =	swait.ge @!p0 [sflag:s15], $0x3E80  }
0x38: {  	[sflag:s15] =	ssyncset.done @!p0 $0x0  }
0x39: {  	[sflag:s15] =	ssyncadd.s32 @!p0 $0xFFFFC180  }
0x3a: {  	_ =	swait.ge @!p0 [sflag:s15], $0x3E80  }
0x3b: {  	s14 =	sadd.s32 $0x1, s14;
	[sflag:s15] =	ssyncset.done @!p0 $0x0  }
0x3c: {  	p6 =	sne.s32 s14, s13;
	[sflag:s15] =	ssyncadd.s32 @!p0 $0xFFFFC180;
	s15 =	simm.s32 @!p0 $0x0  }
0x3d: {  	[hbm4b:s12+s15] =	stream.linear.scatter @!p0 [tilespmem:s15], [sflag:$0x2], $0x1F400, $0x38;
	[tilespmem:$0x1F400] =	vst v63  }
.Ltmp1:
0x3e: {  	_ = 	snop;
	(pc) =	sbr.rel @!p6 .LBB2_60-.Ltmp1, $4  }
0x3f: {  	s15 =	simm.s32 @!p0 $0x2  }
0x40: {  	_ =	swait.ge @!p0 [sflag:s15], $0x1F400  }
0x41: {  	[sflag:s15] =	ssyncset.done @!p0 $0x0  }
0x42: {  	[sflag:s15] =	ssyncadd.s32 @!p0 $0xFFFE0C00  }
.LBB2_1:
.Ltmp2:
0x43: {  	(pc) =	sbr.rel @!p0 .LBB2_2-.Ltmp2, $1  }
0x44: {  	_ =	sdelay $0x3  }
.LBB2_15:
0x45: {  	s15 =	sld [smem:$0x7F5];
	_ =	sdelay $0x2  }
0x46: {  	p6 =	seq.s32 s15, $0x1  }
.Ltmp3:
0x47: {  	_ = 	snop;
	(pc) =	sbr.rel @p6 .LBB2_19-.Ltmp3, $1  }
0x48: {  	_ =	sdelay $0x3  }
0x49: {  	s15 =	simm.s32 $0x100  }
0x4a: {  	s16 =	simm.s32 $0x10;
	s18 =	sadd.s32 $0x0, s3;
	s17 =	simm.s32 $0x500  }
.LBB2_17:
0x4b: {  	[tilespmem:s15], [sflag:$0x1] =	stream.linear.gather [hbm4b:s18+s2], $0x80, $0x38;
	[tilespmem:$0x1F400] =	vst v63  }
0x4c: {  	s18 =	smov.u32 s16;
	s15 =	smov.u32 s17;
	p6 =	sne.s32 s16, $0x7C0  }
.Ltmp4:
0x4d: {  	s16 =	sadd.s32 $0x10, s16;
	(pc) =	sbr.rel @p6 .LBB2_17-.Ltmp4, $2  }
0x4e: {  	_ =	sdelay $0x2  }
0x4f: {  	s17 =	sadd.s32 $0x400, s17;
	s18 =	sadd.s32 s18, s3  }
0x50: {  	[tilespmem:s15], [sflag:$0x1] =	stream.linear.gather [hbm4b:s18+s2], $0x80, $0x38;
	[tilespmem:$0x1F400] =	vst v63  }
.LBB2_19:
0x51: {  	s15 =	sld [smem:$0x7F6];
	_ =	sdelay $0x2  }
0x52: {  	p6 =	seq.s32 s15, $0x1  }
.Ltmp5:
0x53: {  	_ = 	snop;
	(pc) =	sbr.rel @p6 .LBB2_23-.Ltmp5, $1  }
0x54: {  	_ =	sdelay $0x3  }
0x55: {  	s15 =	simm.s32 $0x180  }
0x56: {  	s16 =	simm.s32 $0x10;
	s18 =	sadd.s32 $0x0, s7;
	s17 =	simm.s32 $0x580  }
.LBB2_21:
0x57: {  	[tilespmem:s15], [sflag:$0x1] =	stream.linear.gather [hbm4b:s18+s2], $0x80, $0x38;
	[tilespmem:$0x1F400] =	vst v63  }
0x58: {  	s18 =	smov.u32 s16;
	s15 =	smov.u32 s17;
	p6 =	sne.s32 s16, $0x7C0  }
.Ltmp6:
0x59: {  	s16 =	sadd.s32 $0x10, s16;
	(pc) =	sbr.rel @p6 .LBB2_21-.Ltmp6, $2  }
0x5a: {  	_ =	sdelay $0x2  }
0x5b: {  	s17 =	sadd.s32 $0x400, s17;
	s18 =	sadd.s32 s18, s7  }
0x5c: {  	[tilespmem:s15], [sflag:$0x1] =	stream.linear.gather [hbm4b:s18+s2], $0x80, $0x38;
	[tilespmem:$0x1F400] =	vst v63  }
.LBB2_23:
0x5d: {  	s15 =	sld [smem:$0x7F7];
	_ =	sdelay $0x2  }
0x5e: {  	p6 =	seq.s32 s15, $0x1  }
.Ltmp7:
0x5f: {  	_ = 	snop;
	(pc) =	sbr.rel @p6 .LBB2_27-.Ltmp7, $1  }
0x60: {  	_ =	sdelay $0x3  }
0x61: {  	s15 =	simm.s32 $0x180  }
0x62: {  	s16 =	simm.s32 $0x10;
	s18 =	sadd.s32 $0x0, s3;
	s17 =	simm.s32 $0x580  }
.LBB2_25:
0x63: {  	[tilespmem:s15], [sflag:$0x1] =	stream.linear.gather [hbm4b:s18+s2], $0x80, $0x38;
	[tilespmem:$0x1F400] =	vst v63  }
0x64: {  	s18 =	smov.u32 s16;
	s15 =	smov.u32 s17;
	p6 =	sne.s32 s16, $0x7C0  }
.Ltmp8:
0x65: {  	s16 =	sadd.s32 $0x10, s16;
	(pc) =	sbr.rel @p6 .LBB2_25-.Ltmp8, $2  }
0x66: {  	_ =	sdelay $0x2  }
0x67: {  	s17 =	sadd.s32 $0x400, s17;
	s18 =	sadd.s32 s18, s3  }
0x68: {  	[tilespmem:s15], [sflag:$0x1] =	stream.linear.gather [hbm4b:s18+s2], $0x80, $0x38;
	[tilespmem:$0x1F400] =	vst v63  }
.LBB2_27:
0x69: {  	s15 =	sld [smem:$0x7F8];
	_ =	sdelay $0x2  }
0x6a: {  	p6 =	seq.s32 s15, $0x1  }
.Ltmp9:
0x6b: {  	_ = 	snop;
	(pc) =	sbr.rel @p6 .LBB2_31-.Ltmp9, $1  }
0x6c: {  	_ =	sdelay $0x3  }
0x6d: {  	s15 =	simm.s32 $0x200  }
0x6e: {  	s16 =	simm.s32 $0x10;
	s18 =	sadd.s32 $0x0, s8;
	s17 =	simm.s32 $0x600  }
.LBB2_29:
0x6f: {  	[tilespmem:s15], [sflag:$0x1] =	stream.linear.gather [hbm4b:s18+s2], $0x80, $0x38;
	[tilespmem:$0x1F400] =	vst v63  }
0x70: {  	s18 =	smov.u32 s16;
	s15 =	smov.u32 s17;
	p6 =	sne.s32 s16, $0x7C0  }
.Ltmp10:
0x71: {  	s16 =	sadd.s32 $0x10, s16;
	(pc) =	sbr.rel @p6 .LBB2_29-.Ltmp10, $2  }
0x72: {  	_ =	sdelay $0x2  }
0x73: {  	s17 =	sadd.s32 $0x400, s17;
	s18 =	sadd.s32 s18, s8  }
0x74: {  	[tilespmem:s15], [sflag:$0x1] =	stream.linear.gather [hbm4b:s18+s2], $0x80, $0x38;
	[tilespmem:$0x1F400] =	vst v63  }
.LBB2_31:
0x75: {  	s15 =	sld [smem:$0x7F9];
	_ =	sdelay $0x2  }
0x76: {  	p6 =	seq.s32 s15, $0x1  }
.Ltmp11:
0x77: {  	_ = 	snop;
	(pc) =	sbr.rel @p6 .LBB2_35-.Ltmp11, $1  }
0x78: {  	_ =	sdelay $0x3  }
0x79: {  	s15 =	simm.s32 $0x200  }
0x7a: {  	s16 =	simm.s32 $0x10;
	s18 =	sadd.s32 $0x0, s3;
	s17 =	simm.s32 $0x600  }
.LBB2_33:
0x7b: {  	[tilespmem:s15], [sflag:$0x1] =	stream.linear.gather [hbm4b:s18+s2], $0x80, $0x38;
	[tilespmem:$0x1F400] =	vst v63  }
0x7c: {  	s18 =	smov.u32 s16;
	s15 =	smov.u32 s17;
	p6 =	sne.s32 s16, $0x7C0  }
.Ltmp12:
0x7d: {  	s16 =	sadd.s32 $0x10, s16;
	(pc) =	sbr.rel @p6 .LBB2_33-.Ltmp12, $2  }
0x7e: {  	_ =	sdelay $0x2  }
0x7f: {  	s17 =	sadd.s32 $0x400, s17;
	s18 =	sadd.s32 s18, s3  }
0x80: {  	[tilespmem:s15], [sflag:$0x1] =	stream.linear.gather [hbm4b:s18+s2], $0x80, $0x38;
	[tilespmem:$0x1F400] =	vst v63  }
.LBB2_35:
0x81: {  	s15 =	sld [smem:$0x7FA];
	_ =	sdelay $0x2  }
0x82: {  	p6 =	seq.s32 s15, $0x1  }
.Ltmp13:
0x83: {  	_ = 	snop;
	(pc) =	sbr.rel @p6 .LBB2_39-.Ltmp13, $1  }
0x84: {  	_ =	sdelay $0x3  }
0x85: {  	s15 =	simm.s32 $0x280  }
0x86: {  	s16 =	simm.s32 $0x10;
	s18 =	sadd.s32 $0x0, s9;
	s17 =	simm.s32 $0x680  }
.LBB2_37:
0x87: {  	[tilespmem:s15], [sflag:$0x1] =	stream.linear.gather [hbm4b:s18+s2], $0x80, $0x38;
	[tilespmem:$0x1F400] =	vst v63  }
0x88: {  	s18 =	smov.u32 s16;
	s15 =	smov.u32 s17;
	p6 =	sne.s32 s16, $0x7C0  }
.Ltmp14:
0x89: {  	s16 =	sadd.s32 $0x10, s16;
	(pc) =	sbr.rel @p6 .LBB2_37-.Ltmp14, $2  }
0x8a: {  	_ =	sdelay $0x2  }
0x8b: {  	s17 =	sadd.s32 $0x400, s17;
	s18 =	sadd.s32 s18, s9  }
0x8c: {  	[tilespmem:s15], [sflag:$0x1] =	stream.linear.gather [hbm4b:s18+s2], $0x80, $0x38;
	[tilespmem:$0x1F400] =	vst v63  }
.LBB2_39:
.Ltmp15:
0x8d: {  	(pc) =	sbr.rel @p1 .LBB2_43-.Ltmp15, $1  }
0x8e: {  	_ =	sdelay $0x3  }
0x8f: {  	s15 =	simm.s32 $0x280  }
0x90: {  	s16 =	simm.s32 $0x10;
	s18 =	sadd.s32 $0x0, s3;
	s17 =	simm.s32 $0x680  }
.LBB2_41:
0x91: {  	[tilespmem:s15], [sflag:$0x1] =	stream.linear.gather [hbm4b:s18+s2], $0x80, $0x38;
	[tilespmem:$0x1F400] =	vst v63  }
0x92: {  	s18 =	smov.u32 s16;
	s15 =	smov.u32 s17;
	p6 =	sne.s32 s16, $0x7C0  }
.Ltmp16:
0x93: {  	s16 =	sadd.s32 $0x10, s16;
	(pc) =	sbr.rel @p6 .LBB2_41-.Ltmp16, $2  }
0x94: {  	_ =	sdelay $0x2  }
0x95: {  	s17 =	sadd.s32 $0x400, s17;
	s18 =	sadd.s32 s18, s3  }
0x96: {  	[tilespmem:s15], [sflag:$0x1] =	stream.linear.gather [hbm4b:s18+s2], $0x80, $0x38;
	[tilespmem:$0x1F400] =	vst v63  }
.LBB2_43:
.Ltmp17:
0x97: {  	(pc) =	sbr.rel @p2 .LBB2_47-.Ltmp17, $1  }
0x98: {  	_ =	sdelay $0x3  }
0x99: {  	s15 =	simm.s32 $0x300  }
0x9a: {  	s16 =	simm.s32 $0x10;
	s18 =	sadd.s32 $0x0, s10;
	s17 =	simm.s32 $0x700  }
.LBB2_45:
0x9b: {  	[tilespmem:s15], [sflag:$0x1] =	stream.linear.gather [hbm4b:s18+s2], $0x80, $0x38;
	[tilespmem:$0x1F400] =	vst v63  }
0x9c: {  	s18 =	smov.u32 s16;
	s15 =	smov.u32 s17;
	p6 =	sne.s32 s16, $0x7C0  }
.Ltmp18:
0x9d: {  	s16 =	sadd.s32 $0x10, s16;
	(pc) =	sbr.rel @p6 .LBB2_45-.Ltmp18, $2  }
0x9e: {  	_ =	sdelay $0x2  }
0x9f: {  	s17 =	sadd.s32 $0x400, s17;
	s18 =	sadd.s32 s18, s10  }
0xa0: {  	[tilespmem:s15], [sflag:$0x1] =	stream.linear.gather [hbm4b:s18+s2], $0x80, $0x38;
	[tilespmem:$0x1F400] =	vst v63  }
.LBB2_47:
.Ltmp19:
0xa1: {  	(pc) =	sbr.rel @p3 .LBB2_51-.Ltmp19, $1  }
0xa2: {  	_ =	sdelay $0x3  }
0xa3: {  	s15 =	simm.s32 $0x300  }
0xa4: {  	s16 =	simm.s32 $0x10;
	s18 =	sadd.s32 $0x0, s3;
	s17 =	simm.s32 $0x700  }
.LBB2_49:
0xa5: {  	[tilespmem:s15], [sflag:$0x1] =	stream.linear.gather [hbm4b:s18+s2], $0x80, $0x38;
	[tilespmem:$0x1F400] =	vst v63  }
0xa6: {  	s18 =	smov.u32 s16;
	s15 =	smov.u32 s17;
	p6 =	sne.s32 s16, $0x7C0  }
.Ltmp20:
0xa7: {  	s16 =	sadd.s32 $0x10, s16;
	(pc) =	sbr.rel @p6 .LBB2_49-.Ltmp20, $2  }
0xa8: {  	_ =	sdelay $0x2  }
0xa9: {  	s17 =	sadd.s32 $0x400, s17;
	s18 =	sadd.s32 s18, s3  }
0xaa: {  	[tilespmem:s15], [sflag:$0x1] =	stream.linear.gather [hbm4b:s18+s2], $0x80, $0x38;
	[tilespmem:$0x1F400] =	vst v63  }
.LBB2_51:
.Ltmp21:
0xab: {  	(pc) =	sbr.rel @p4 .LBB2_55-.Ltmp21, $1  }
0xac: {  	_ =	sdelay $0x3  }
0xad: {  	s15 =	simm.s32 $0x380  }
0xae: {  	s16 =	simm.s32 $0x10;
	s18 =	sadd.s32 $0x0, s11;
	s17 =	simm.s32 $0x780  }
.LBB2_53:
0xaf: {  	[tilespmem:s15], [sflag:$0x1] =	stream.linear.gather [hbm4b:s18+s2], $0x80, $0x38;
	[tilespmem:$0x1F400] =	vst v63  }
0xb0: {  	s18 =	smov.u32 s16;
	s15 =	smov.u32 s17;
	p6 =	sne.s32 s16, $0x7C0  }
.Ltmp22:
0xb1: {  	s16 =	sadd.s32 $0x10, s16;
	(pc) =	sbr.rel @p6 .LBB2_53-.Ltmp22, $2  }
0xb2: {  	_ =	sdelay $0x2  }
0xb3: {  	s17 =	sadd.s32 $0x400, s17;
	s18 =	sadd.s32 s18, s11  }
0xb4: {  	[tilespmem:s15], [sflag:$0x1] =	stream.linear.gather [hbm4b:s18+s2], $0x80, $0x38;
	[tilespmem:$0x1F400] =	vst v63  }
.LBB2_55:
.Ltmp23:
0xb5: {  	(pc) =	sbr.rel @p5 .LBB2_59-.Ltmp23, $1  }
0xb6: {  	_ =	sdelay $0x3  }
0xb7: {  	s15 =	simm.s32 $0x380  }
0xb8: {  	s16 =	simm.s32 $0x10;
	s18 =	sadd.s32 $0x0, s3;
	s17 =	simm.s32 $0x780  }
.LBB2_57:
0xb9: {  	[tilespmem:s15], [sflag:$0x1] =	stream.linear.gather [hbm4b:s18+s2], $0x80, $0x38;
	[tilespmem:$0x1F400] =	vst v63  }
0xba: {  	s18 =	smov.u32 s16;
	s15 =	smov.u32 s17;
	p6 =	sne.s32 s16, $0x7C0  }
.Ltmp24:
0xbb: {  	s16 =	sadd.s32 $0x10, s16;
	(pc) =	sbr.rel @p6 .LBB2_57-.Ltmp24, $2  }
0xbc: {  	_ =	sdelay $0x2  }
0xbd: {  	s17 =	sadd.s32 $0x400, s17;
	s18 =	sadd.s32 s18, s3  }
.Ltmp25:
0xbe: {  	_ = 	snop;
	(pc) =	sbr.rel .LBB2_58-.Ltmp25, $1  }
0xbf: {  	_ =	sdelay $0x3  }
.LBB2_2:
0xc0: {  	s15 =	simm.s32 $0x0  }
0xc1: {  	s16 =	simm.s32 $0x10;
	s18 =	sadd.s32 $0x0, s4;
	s17 =	simm.s32 $0x400  }
.LBB2_3:
0xc2: {  	[tilespmem:s15], [sflag:$0x1] =	stream.linear.gather [hbm4b:s18+s2], $0x80, $0x38;
	[tilespmem:$0x1F400] =	vst v63  }
0xc3: {  	s18 =	smov.u32 s16;
	s15 =	smov.u32 s17;
	p6 =	sne.s32 s16, $0x7C0  }
.Ltmp26:
0xc4: {  	s16 =	sadd.s32 $0x10, s16;
	(pc) =	sbr.rel @p6 .LBB2_3-.Ltmp26, $2  }
0xc5: {  	_ =	sdelay $0x2  }
0xc6: {  	s17 =	sadd.s32 $0x400, s17;
	s18 =	sadd.s32 s18, s4  }
0xc7: {  	s31 =	sld [smem:$0x7FB];
	_ =	sdelay $0x2  }
0xc8: {  	p6 =	seq.s32 s31, $0x1  }
.Ltmp27:
0xc9: {  	_ = 	snop;
	(pc) =	sbr.rel @p6 .LBB2_11-.Ltmp27, $2  }
0xca: {  	_ =	sdelay $0x2  }
0xcb: {  	[tilespmem:s15], [sflag:$0x1] =	stream.linear.gather [hbm4b:s18+s2], $0x80, $0x38;
	[tilespmem:$0x1F400] =	vst v63  }
0xcc: {  	s15 =	simm.s32 $0x80  }
0xcd: {  	s16 =	simm.s32 $0x10;
	s18 =	sadd.s32 $0x0, s5;
	s17 =	simm.s32 $0x480  }
.LBB2_6:
0xce: {  	[tilespmem:s15], [sflag:$0x1] =	stream.linear.gather [hbm4b:s18+s2], $0x80, $0x38;
	[tilespmem:$0x1F400] =	vst v63  }
0xcf: {  	s18 =	smov.u32 s16;
	s15 =	smov.u32 s17;
	p6 =	seq.s32 s16, $0x7C0  }
.Ltmp28:
0xd0: {  	s16 =	sadd.s32 $0x10, s16;
	(pc) =	sbr.rel @!p6 .LBB2_6-.Ltmp28, $2  }
0xd1: {  	_ =	sdelay $0x2  }
0xd2: {  	s17 =	sadd.s32 $0x400, s17;
	s18 =	sadd.s32 s18, s5  }
0xd3: {  	s31 =	sld [smem:$0x7FC];
	_ =	sdelay $0x2  }
0xd4: {  	p6 =	seq.s32 s31, $0x1  }
.Ltmp29:
0xd5: {  	_ = 	snop;
	(pc) =	sbr.rel @p6 .LBB2_15-.Ltmp29, $2  }
0xd6: {  	_ =	sdelay $0x2  }
0xd7: {  	[tilespmem:s15], [sflag:$0x1] =	stream.linear.gather [hbm4b:s18+s2], $0x80, $0x38;
	[tilespmem:$0x1F400] =	vst v63  }
0xd8: {  	s15 =	simm.s32 $0x100  }
0xd9: {  	s16 =	simm.s32 $0x10;
	s18 =	sadd.s32 $0x0, s6;
	s17 =	simm.s32 $0x500  }
.LBB2_9:
0xda: {  	[tilespmem:s15], [sflag:$0x1] =	stream.linear.gather [hbm4b:s18+s2], $0x80, $0x38;
	[tilespmem:$0x1F400] =	vst v63  }
0xdb: {  	s18 =	smov.u32 s16;
	s15 =	smov.u32 s17;
	p6 =	sne.s32 s16, $0x7C0  }
.Ltmp30:
0xdc: {  	s16 =	sadd.s32 $0x10, s16;
	(pc) =	sbr.rel @p6 .LBB2_9-.Ltmp30, $2  }
0xdd: {  	_ =	sdelay $0x2  }
0xde: {  	s17 =	sadd.s32 $0x400, s17;
	s18 =	sadd.s32 s18, s6  }
.Ltmp31:
0xdf: {  	(pc) =	sbr.rel .LBB2_15-.Ltmp31, $2  }
0xe0: {  	_ =	sdelay $0x2  }
0xe1: {  	[tilespmem:s15], [sflag:$0x1] =	stream.linear.gather [hbm4b:s18+s2], $0x80, $0x38;
	[tilespmem:$0x1F400] =	vst v63  }
.LBB2_11:
0xe2: {  	s15 =	sld [smem:$0x7FD];
	_ =	sdelay $0x2  }
0xe3: {  	p6 =	seq.s32 s15, $0x1  }
.Ltmp32:
0xe4: {  	_ = 	snop;
	(pc) =	sbr.rel @p6 .LBB2_15-.Ltmp32, $1  }
0xe5: {  	_ =	sdelay $0x3  }
0xe6: {  	s15 =	simm.s32 $0x80  }
0xe7: {  	s16 =	simm.s32 $0x10;
	s18 =	sadd.s32 $0x0, s3;
	s17 =	simm.s32 $0x480  }
.LBB2_13:
0xe8: {  	[tilespmem:s15], [sflag:$0x1] =	stream.linear.gather [hbm4b:s18+s2], $0x80, $0x38;
	[tilespmem:$0x1F400] =	vst v63  }
0xe9: {  	s18 =	smov.u32 s16;
	s15 =	smov.u32 s17;
	p6 =	seq.s32 s16, $0x7C0  }
.Ltmp33:
0xea: {  	s16 =	sadd.s32 $0x10, s16;
	(pc) =	sbr.rel @!p6 .LBB2_13-.Ltmp33, $2  }
0xeb: {  	_ =	sdelay $0x2  }
0xec: {  	s17 =	sadd.s32 $0x400, s17;
	s18 =	sadd.s32 s18, s3  }
.Ltmp34:
0xed: {  	(pc) =	sbr.rel .LBB2_15-.Ltmp34, $2  }
0xee: {  	_ =	sdelay $0x2  }
0xef: {  	[tilespmem:s15], [sflag:$0x1] =	stream.linear.gather [hbm4b:s18+s2], $0x80, $0x38;
	[tilespmem:$0x1F400] =	vst v63  }
.LBB2_60:
0xf0: {  	_ =	sfence.sel $0x180000  }
0xf1: {  	[bflag:$0x0] =	sbarrier.arrive $0xFFFF  }
0xf2: {  	p0 =	sne.s32 s0, $0x0;
	_ =	strace $0x90000047  }
0xf3: {  	s0 =	sadd.s32 @!p0 $0x100000, s1;
	[bflag:$0x2] =	sbarrier.arrive $0xFFFF  }
0xf4: {  	[sflag:s0] =	ssyncadd.tile.s32 @!p0 $0x1;
	_ =	shalt  }
.Lfunc_end2:
_tile_overlayer_lowered:
.L_overlay_start_2:
0xf5: {  	(tag) =	ssettag $0x2  }
0xf6: {  	s0 =	rddreg [dreg:$0x0];
	s2 =	stileid.u32  }
0xf7: {  	s1 =	rddreg [dreg:$0x1];
	p0 =	sne.s32 s2, $0x0  }
0xf8: {  	s3 =	rddreg [dreg:$0x2];
	[bflag:$0x3] =	sbarrier.arrive $0xFFFF;
	s2 =	simm.s32 @!p0 $0x1C03  }
0xf9: {  	[timem:s3], [sflag:s2] =	dma.local @!p0 [hbm:s0], s1  }
0xfa: {  	s0 =	simm.s32 @!p0 $0x3  }
0xfb: {  	_ =	swait.ge @!p0 [sflag:s0], s1  }
0xfc: {  	s1 =	ssub.s32 @!p0 $0x0, s1;
	[sflag:s0] =	ssyncset.done @!p0 $0x0  }
0xfd: {  	[sflag:s0] =	ssyncadd.s32 @!p0 s1  }
0xfe: {  	[bflag:$0x3] =	sbarrier.arrive $0xFFFF  }
0xff: {  	_ =	shalt  }

</sc_bundles>
